<compile_context>
chip_gen: v7x
topology: tpu7x:2x2x1
jax: 0.10.2.dev20260603
libtpu: 0.0.44.dev20260713+nightly
codegen_flags: <defaults>
</compile_context>

<pallas_src>
import functools

import jax
import jax.numpy as jnp
from jax import lax
from jax.experimental import pallas as pl
from jax.experimental.pallas import tpu as pltpu
from jax.experimental.pallas import tpu_sc as plsc

S_N = 10000
C_T = 4096
G_ST = 128
G_SC = 2000
D_2 = 32
K_SP = 20
H_1 = 64
DEC_W = 256
E_N = 320000

NC = 2
NS = 16
LN = 128
N_CHUNKS = 2560
E_PAD = N_CHUNKS * LN
CPT = N_CHUNKS // (NC * NS)
RPT = 624
S_PAD = S_N + 8


def _make_deg_kernel():
    mesh = plsc.VectorSubcoreMesh(core_axis_name="c", subcore_axis_name="s")

    @functools.partial(
        pl.kernel,
        mesh=mesh,
        compiler_params=pltpu.CompilerParams(use_tc_tiling_on_sc=False),
        out_type=jax.ShapeDtypeStruct((NC, S_N, 16), jnp.float32),
        scratch_types=[
            pltpu.VMEM((CPT, LN), jnp.int32),
            pltpu.VMEM((LN, 16), jnp.float32),
            pltpu.VMEM_SHARED((S_PAD, 16), jnp.float32),
        ],
    )
    def k(ones_hbm, dstc_hbm, zeros_hbm, out_hbm, dst_v, ones_v, acc):
        c = lax.axis_index("c")
        s = lax.axis_index("s")
        wid = c * NS + s
        pltpu.sync_copy(dstc_hbm.at[pl.ds(wid * CPT, CPT), :], dst_v)
        pltpu.sync_copy(ones_hbm, ones_v)
        pltpu.sync_copy(zeros_hbm, acc.at[pl.ds(s * RPT, RPT), :])

        @pl.when(s == NS - 1)
        def _():
            pltpu.sync_copy(zeros_hbm.at[pl.ds(0, 16), :],
                            acc.at[pl.ds(NS * RPT, 16), :])
            pltpu.sync_copy(zeros_hbm.at[pl.ds(0, 8), :], acc.at[pl.ds(S_N, 8), :])

        plsc.subcore_barrier()

        def step(j, carry):
            pltpu.sync_copy(ones_v, acc.at[dst_v.at[j]], add=True)
            return carry

        lax.fori_loop(0, CPT, step, 0)
        plsc.subcore_barrier()
        pltpu.sync_copy(acc.at[pl.ds(s * RPT, RPT), :],
                        out_hbm.at[c, pl.ds(s * RPT, RPT), :])

        @pl.when(s == NS - 1)
        def _():
            pltpu.sync_copy(acc.at[pl.ds(NS * RPT, 16), :],
                            out_hbm.at[c, pl.ds(NS * RPT, 16), :])

    return k


def _make_scatter_kernel(d):
    mesh = plsc.VectorSubcoreMesh(core_axis_name="c", subcore_axis_name="s")

    @functools.partial(
        pl.kernel,
        mesh=mesh,
        compiler_params=pltpu.CompilerParams(use_tc_tiling_on_sc=False),
        out_type=jax.ShapeDtypeStruct((NC, S_N, d), jnp.float32),
        scratch_types=[
            pltpu.VMEM((CPT, LN), jnp.int32),
            pltpu.VMEM((CPT, LN), jnp.int32),
            pltpu.VMEM((LN, d), jnp.float32),
            pltpu.VMEM_SHARED((S_PAD, d), jnp.float32),
            pltpu.SemaphoreType.DMA,
        ],
    )
    def k(y_hbm, srcc_hbm, dstc_hbm, zeros_hbm, out_hbm,
          src_v, dst_v, rows_v, acc, sem):
        c = lax.axis_index("c")
        s = lax.axis_index("s")
        wid = c * NS + s
        pltpu.sync_copy(srcc_hbm.at[pl.ds(wid * CPT, CPT), :], src_v)
        pltpu.sync_copy(dstc_hbm.at[pl.ds(wid * CPT, CPT), :], dst_v)
        pltpu.sync_copy(zeros_hbm, acc.at[pl.ds(s * RPT, RPT), :])

        @pl.when(s == NS - 1)
        def _():
            pltpu.sync_copy(zeros_hbm.at[pl.ds(0, 16), :],
                            acc.at[pl.ds(NS * RPT, 16), :])
            pltpu.sync_copy(zeros_hbm.at[pl.ds(0, 8), :], acc.at[pl.ds(S_N, 8), :])

        plsc.subcore_barrier()

        def step(j, carry):
            pltpu.async_copy(y_hbm.at[src_v.at[j]], rows_v, sem).wait()
            pltpu.sync_copy(rows_v, acc.at[dst_v.at[j]], add=True)
            return carry

        lax.fori_loop(0, CPT, step, 0)
        plsc.subcore_barrier()
        pltpu.sync_copy(acc.at[pl.ds(s * RPT, RPT), :],
                        out_hbm.at[c, pl.ds(s * RPT, RPT), :])

        @pl.when(s == NS - 1)
        def _():
            pltpu.sync_copy(acc.at[pl.ds(NS * RPT, 16), :],
                            out_hbm.at[c, pl.ds(NS * RPT, 16), :])

    return k


_deg_kernel = _make_deg_kernel()
_scat64 = _make_scatter_kernel(H_1)
_scat32 = _make_scatter_kernel(D_2)



def _tc1_body(dp0, dp1, z, w1, dis_o, y1_o):
    deg = dp0[:, 0:1] + dp1[:, 0:1] + 1.0
    dis = lax.rsqrt(deg)
    dis_o[...] = dis
    y1_o[...] = jnp.dot(z[...], w1[...], preferred_element_type=jnp.float32) * dis


def _tc2_body(p0, p1, y1, dis_r, b1, w2, y2_o):
    dis = dis_r[...]
    h = jnp.maximum((p0[...] + p1[...] + y1[...]) * dis + b1[...], 0.0)
    y2_o[...] = jnp.dot(h, w2[...], preferred_element_type=jnp.float32) * dis


def _tc3_body(u, q0, q1, y2, dis_r, b2, a_o, h_o):
    x = u[...]
    m = jnp.max(x, axis=1, keepdims=True)
    e = jnp.exp(x - m)
    ssum = jnp.sum(e, axis=1, keepdims=True)
    a_o[...] = e / ssum
    h_o[...] = (q0[...] + q1[...] + y2[...]) * dis_r[...] + b2[...]


def _tc4_body(v, f, wd1, bd1, wd2, bd2, b_o, m_o):
    x = v[...]
    m = jnp.max(x, axis=1, keepdims=True)
    e = jnp.exp(x - m)
    bmat = e / jnp.sum(e, axis=1, keepdims=True)
    b_o[...] = bmat
    srow = jnp.sum(bmat, axis=0, keepdims=True)
    rows = lax.broadcasted_iota(jnp.int32, (K_SP, K_SP), 0)
    cols = lax.broadcasted_iota(jnp.int32, (K_SP, K_SP), 1)
    diag = jnp.where(rows == cols, srow, 0.0)
    p1 = jnp.maximum(
        jnp.dot(f[...], wd1[...], preferred_element_type=jnp.float32) + bd1[...], 0.0)
    p2 = jnp.dot(p1, wd2[...], preferred_element_type=jnp.float32) + bd2[...]
    m_o[...] = jnp.dot(diag, p2, preferred_element_type=jnp.float32)


_RB = 400


def kernel(z, edge_index, W1, b1, W2, b2, U, V, F, Wd1, bd1, Wd2, bd2):
    src = edge_index[0]
    dst = edge_index[1]
    pad = E_PAD - E_N
    pad_dst = S_N + (jnp.arange(pad, dtype=jnp.int32) % 8)
    srcc = jnp.concatenate([src, jnp.zeros((pad,), jnp.int32)]).reshape(N_CHUNKS, LN)
    dstc = jnp.concatenate([dst, pad_dst]).reshape(N_CHUNKS, LN)

    ones16 = jnp.ones((LN, 16), jnp.float32)
    zeros16 = jnp.zeros((RPT, 16), jnp.float32)
    zeros64 = jnp.zeros((RPT, H_1), jnp.float32)
    zeros32 = jnp.zeros((RPT, D_2), jnp.float32)

    deg_parts = _deg_kernel(ones16, dstc, zeros16)

    dis, y1 = pl.pallas_call(
        _tc1_body,
        out_shape=(
            jax.ShapeDtypeStruct((S_N, 1), jnp.float32),
            jax.ShapeDtypeStruct((S_N, H_1), jnp.float32),
        ),
    )(deg_parts[0], deg_parts[1], z, W1)

    p1 = _scat64(y1, srcc, dstc, zeros64)

    y2 = pl.pallas_call(
        _tc2_body,
        out_shape=jax.ShapeDtypeStruct((S_N, D_2), jnp.float32),
    )(p1[0], p1[1], y1, dis, b1.reshape(1, H_1), W2)

    p2 = _scat32(y2, srcc, dstc, zeros32)

    grid = S_N // _RB
    A, h = pl.pallas_call(
        _tc3_body,
        grid=(grid,),
        in_specs=[
            pl.BlockSpec((_RB, C_T), lambda i: (i, 0)),
            pl.BlockSpec((_RB, D_2), lambda i: (i, 0)),
            pl.BlockSpec((_RB, D_2), lambda i: (i, 0)),
            pl.BlockSpec((_RB, D_2), lambda i: (i, 0)),
            pl.BlockSpec((_RB, 1), lambda i: (i, 0)),
            pl.BlockSpec((1, D_2), lambda i: (0, 0)),
        ],
        out_specs=[
            pl.BlockSpec((_RB, C_T), lambda i: (i, 0)),
            pl.BlockSpec((_RB, D_2), lambda i: (i, 0)),
        ],
        out_shape=(
            jax.ShapeDtypeStruct((S_N, C_T), jnp.float32),
            jax.ShapeDtypeStruct((S_N, D_2), jnp.float32),
        ),
    )(U, p2[0], p2[1], y2, dis, b2.reshape(1, D_2))

    B, M_rec = pl.pallas_call(
        _tc4_body,
        out_shape=(
            jax.ShapeDtypeStruct((C_T, K_SP), jnp.float32),
            jax.ShapeDtypeStruct((K_SP, G_SC), jnp.float32),
        ),
    )(V, F, Wd1, bd1.reshape(1, DEC_W), Wd2, bd2.reshape(1, G_SC))

    return (A, B, h, M_rec, F)

# --- scband reference (transcript-rebuilt; emitter-appended) ---
"""Pipeline reference for scband-alternative-idea-model-4346506903645 (READ-ONLY COPY).

The authoritative reference and input builder live on the scoring server;
editing this copy changes nothing except your own understanding.
"""

import jax, jax.numpy as jnp
import numpy as np

S = 10000
C = 4096
G_ST = 128
G_SC = 2000
D = 32
K = 20
H = 64
DEC = 256
E = 320000


def gcn_conv(x, edge_index, W, b, num_nodes):
    # PyG GCNConv: add self-loops, symmetric normalization, then scatter-add aggregation
    src = edge_index[0]
    dst = edge_index[1]
    loop = jnp.arange(num_nodes, dtype=src.dtype)
    src = jnp.concatenate([src, loop])
    dst = jnp.concatenate([dst, loop])
    deg = jnp.zeros((num_nodes,), dtype=x.dtype).at[dst].add(1.0)
    deg_inv_sqrt = jnp.where(deg > 0, deg ** -0.5, 0.0)
    norm = deg_inv_sqrt[src] * deg_inv_sqrt[dst]
    xw = x @ W
    msg = xw[src] * norm[:, None]
    out = jnp.zeros((num_nodes, W.shape[1]), dtype=x.dtype).at[dst].add(msg)
    return out + b


def setup_inputs(seed: int = 0) -> dict:
    key = jax.random.key(seed)
    ks = jax.random.split(key, 13)
    z = jax.random.normal(ks[0], (S, G_ST), dtype=jnp.float32)
    edge_index = jax.random.randint(ks[1], (2, E), 0, S, dtype=jnp.int32)
    W1 = jax.random.normal(ks[2], (G_ST, H), dtype=jnp.float32) * (1.0 / np.sqrt(G_ST))
    b1 = jnp.zeros((H,), dtype=jnp.float32)
    W2 = jax.random.normal(ks[3], (H, D), dtype=jnp.float32) * (1.0 / np.sqrt(H))
    b2 = jnp.zeros((D,), dtype=jnp.float32)
    U = jax.random.normal(ks[4], (S, C), dtype=jnp.float32)
    V = jax.random.normal(ks[5], (C, K), dtype=jnp.float32)
    F = jax.random.normal(ks[6], (K, D), dtype=jnp.float32)
    Wd1 = jax.random.normal(ks[7], (D, DEC), dtype=jnp.float32) * (1.0 / np.sqrt(D))
    bd1 = jnp.zeros((DEC,), dtype=jnp.float32)
    Wd2 = jax.random.normal(ks[8], (DEC, G_SC), dtype=jnp.float32) * (1.0 / np.sqrt(DEC))
    bd2 = jnp.zeros((G_SC,), dtype=jnp.float32)
    return {"z": z, "edge_index": edge_index, "W1": W1, "b1": b1, "W2": W2, "b2": b2,
            "U": U, "V": V, "F": F, "Wd1": Wd1, "bd1": bd1, "Wd2": Wd2, "bd2": bd2}


def reference(z, edge_index, W1, b1, W2, b2, U, V, F, Wd1, bd1, Wd2, bd2):
    h = jax.nn.relu(gcn_conv(z, edge_index, W1, b1, S))
    h = gcn_conv(h, edge_index, W2, b2, S)
    A = jax.nn.softmax(U, axis=1)
    B = jax.nn.softmax(V, axis=1)
    p = jnp.mean(B, axis=0)
    # decoder (Dropout is identity in eval mode)
    profiles = jnp.maximum(F @ Wd1 + bd1, 0.0) @ Wd2 + bd2
    M_rec = profiles * (C * p[:, None])
    return (A, B, h, M_rec, F)

if __name__ == "__main__":
    import jax
    _d = setup_inputs()
    print(jax.jit(kernel)(*tuple(_d.values())))

</pallas_src>

<mosaic_0001>
#map = affine_map<(d0, d1) -> (0, 0)>
#map1 = affine_map<(d0, d1) -> (0, 0, 0)>
module attributes {stable_mosaic.version = 14 : i64} {
  func.func @k(%arg0: i32, %arg1: i32, %arg2: memref<10000x32xf32, #tpu.memory_space<hbm>>, %arg3: memref<2560x128xi32, #tpu.memory_space<hbm>>, %arg4: memref<2560x128xi32, #tpu.memory_space<hbm>>, %arg5: memref<624x32xf32, #tpu.memory_space<hbm>>, %arg6: memref<2x10000x32xf32, #tpu.memory_space<hbm>>, %arg7: memref<80x128xi32, #tpu.memory_space<vmem>>, %arg8: memref<80x128xi32, #tpu.memory_space<vmem>>, %arg9: memref<128x32xf32, #tpu.memory_space<vmem>>, %arg10: memref<10008x32xf32, #tpu.memory_space<vmem_shared>>, %arg11: memref<!tpu.dma_semaphore, #tpu.memory_space<semaphore_mem>>) attributes {dimension_semantics = [#tpu.dimension_semantics<core_parallel>, #tpu.dimension_semantics<subcore_parallel>], iteration_bounds = array<i64: 2, 16>, scalar_prefetch = 0 : i64, scratch_operands = 5 : i64, tpu.core_type = #tpu.core_type<sc_vector_subcore>, window_params = [{transform_indices = #map}, {transform_indices = #map}, {transform_indices = #map}, {transform_indices = #map}, {transform_indices = #map1}]} {
    %mul3A = arith.constant 16 : i32
    %mul3A_0 = arith.muli %arg0, %mul3A : i32
    %add3A = arith.addi %mul3A_0, %arg1 : i32
    %mul3A_1 = arith.constant 80 : i32
    %mul3A_2 = arith.muli %add3A, %mul3A_1 : i32
    "tpu.region"() ({
      %run_scoped3A = tpu.sem_alloc : memref<!tpu.dma_semaphore, #tpu.memory_space<semaphore_mem>>
      %dma_start3A = arith.constant 0 : i32
      %dma_start3A_24 = tpu.memref_slice %arg3[%mul3A_2, %dma_start3A] : memref<2560x128xi32, #tpu.memory_space<hbm>> -> memref<80x128xi32, #tpu.memory_space<hbm>>
      %dma_start3A_25 = arith.constant 0 : i32
      %dma_start3A_26 = tpu.memref_slice %arg3[%mul3A_2, %dma_start3A_25] : memref<2560x128xi32, #tpu.memory_space<hbm>> -> memref<80x128xi32, #tpu.memory_space<hbm>>
      tpu.enqueue_dma source(%dma_start3A_26 : memref<80x128xi32, #tpu.memory_space<hbm>>) target(%arg7 : memref<80x128xi32, #tpu.memory_space<vmem>>) target_semaphore(%run_scoped3A : memref<!tpu.dma_semaphore, #tpu.memory_space<semaphore_mem>>)
      %dma_wait3A = arith.constant 0 : i32
      %dma_wait3A_27 = tpu.memref_slice %arg3[%mul3A_2, %dma_wait3A] : memref<2560x128xi32, #tpu.memory_space<hbm>> -> memref<80x128xi32, #tpu.memory_space<hbm>>
      %dma_wait3A_28 = arith.constant 0 : i32
      %dma_wait3A_29 = tpu.memref_slice %arg3[%mul3A_2, %dma_wait3A_28] : memref<2560x128xi32, #tpu.memory_space<hbm>> -> memref<80x128xi32, #tpu.memory_space<hbm>>
      tpu.wait_dma2 semaphore(%run_scoped3A : memref<!tpu.dma_semaphore, #tpu.memory_space<semaphore_mem>>) src(%dma_wait3A_29 : memref<80x128xi32, #tpu.memory_space<hbm>>) dst(%arg7 : memref<80x128xi32, #tpu.memory_space<vmem>>)
      tpu.yield
    }) : () -> ()
    %mul3A_3 = arith.constant 80 : i32
    %mul3A_4 = arith.muli %add3A, %mul3A_3 : i32
    "tpu.region"() ({
      %run_scoped3A = tpu.sem_alloc : memref<!tpu.dma_semaphore, #tpu.memory_space<semaphore_mem>>
      %dma_start3A = arith.constant 0 : i32
      %dma_start3A_24 = tpu.memref_slice %arg4[%mul3A_4, %dma_start3A] : memref<2560x128xi32, #tpu.memory_space<hbm>> -> memref<80x128xi32, #tpu.memory_space<hbm>>
      %dma_start3A_25 = arith.constant 0 : i32
      %dma_start3A_26 = tpu.memref_slice %arg4[%mul3A_4, %dma_start3A_25] : memref<2560x128xi32, #tpu.memory_space<hbm>> -> memref<80x128xi32, #tpu.memory_space<hbm>>
      tpu.enqueue_dma source(%dma_start3A_26 : memref<80x128xi32, #tpu.memory_space<hbm>>) target(%arg8 : memref<80x128xi32, #tpu.memory_space<vmem>>) target_semaphore(%run_scoped3A : memref<!tpu.dma_semaphore, #tpu.memory_space<semaphore_mem>>)
      %dma_wait3A = arith.constant 0 : i32
      %dma_wait3A_27 = tpu.memref_slice %arg4[%mul3A_4, %dma_wait3A] : memref<2560x128xi32, #tpu.memory_space<hbm>> -> memref<80x128xi32, #tpu.memory_space<hbm>>
      %dma_wait3A_28 = arith.constant 0 : i32
      %dma_wait3A_29 = tpu.memref_slice %arg4[%mul3A_4, %dma_wait3A_28] : memref<2560x128xi32, #tpu.memory_space<hbm>> -> memref<80x128xi32, #tpu.memory_space<hbm>>
      tpu.wait_dma2 semaphore(%run_scoped3A : memref<!tpu.dma_semaphore, #tpu.memory_space<semaphore_mem>>) src(%dma_wait3A_29 : memref<80x128xi32, #tpu.memory_space<hbm>>) dst(%arg8 : memref<80x128xi32, #tpu.memory_space<vmem>>)
      tpu.yield
    }) : () -> ()
    %mul3A_5 = arith.constant 624 : i32
    %mul3A_6 = arith.muli %arg1, %mul3A_5 : i32
    "tpu.region"() ({
      %run_scoped3A = tpu.sem_alloc : memref<!tpu.dma_semaphore, #tpu.memory_space<semaphore_mem>>
      %dma_start3A = arith.constant 0 : i32
      %dma_start3A_24 = tpu.memref_slice %arg10[%mul3A_6, %dma_start3A] : memref<10008x32xf32, #tpu.memory_space<vmem_shared>> -> memref<624x32xf32, #tpu.memory_space<vmem_shared>>
      tpu.enqueue_dma source(%arg5 : memref<624x32xf32, #tpu.memory_space<hbm>>) target(%dma_start3A_24 : memref<624x32xf32, #tpu.memory_space<vmem_shared>>) target_semaphore(%run_scoped3A : memref<!tpu.dma_semaphore, #tpu.memory_space<semaphore_mem>>)
      %dma_wait3A = arith.constant 0 : i32
      %dma_wait3A_25 = tpu.memref_slice %arg10[%mul3A_6, %dma_wait3A] : memref<10008x32xf32, #tpu.memory_space<vmem_shared>> -> memref<624x32xf32, #tpu.memory_space<vmem_shared>>
      tpu.wait_dma2 semaphore(%run_scoped3A : memref<!tpu.dma_semaphore, #tpu.memory_space<semaphore_mem>>) src(%arg5 : memref<624x32xf32, #tpu.memory_space<hbm>>) dst(%dma_wait3A_25 : memref<624x32xf32, #tpu.memory_space<vmem_shared>>)
      tpu.yield
    }) : () -> ()
    %eq3A = arith.constant 15 : i32
    %eq3A_7 = arith.cmpi eq, %arg1, %eq3A : i32
    %convert_element_type3A = arith.extui %eq3A_7 : i1 to i32
    %cond3A = arith.constant 0 : i32
    %cond3A_8 = arith.cmpi ne, %convert_element_type3A, %cond3A : i32
    scf.if %cond3A_8 {
      "tpu.region"() ({
        %run_scoped3A = tpu.sem_alloc : memref<!tpu.dma_semaphore, #tpu.memory_space<semaphore_mem>>
        %dma_start3A = arith.constant 9984 : i32
        %dma_start3A_24 = arith.constant 0 : i32
        %dma_start3A_25 = tpu.memref_slice %arg10[%dma_start3A, %dma_start3A_24] : memref<10008x32xf32, #tpu.memory_space<vmem_shared>> -> memref<16x32xf32, #tpu.memory_space<vmem_shared>>
        %dma_start3A_26 = arith.constant 0 : i32
        %dma_start3A_27 = arith.constant 0 : i32
        %dma_start3A_28 = tpu.memref_slice %arg5[%dma_start3A_26, %dma_start3A_27] : memref<624x32xf32, #tpu.memory_space<hbm>> -> memref<16x32xf32, #tpu.memory_space<hbm>>
        tpu.enqueue_dma source(%dma_start3A_28 : memref<16x32xf32, #tpu.memory_space<hbm>>) target(%dma_start3A_25 : memref<16x32xf32, #tpu.memory_space<vmem_shared>>) target_semaphore(%run_scoped3A : memref<!tpu.dma_semaphore, #tpu.memory_space<semaphore_mem>>)
        %dma_wait3A = arith.constant 9984 : i32
        %dma_wait3A_29 = arith.constant 0 : i32
        %dma_wait3A_30 = tpu.memref_slice %arg10[%dma_wait3A, %dma_wait3A_29] : memref<10008x32xf32, #tpu.memory_space<vmem_shared>> -> memref<16x32xf32, #tpu.memory_space<vmem_shared>>
        %dma_wait3A_31 = arith.constant 0 : i32
        %dma_wait3A_32 = arith.constant 0 : i32
        %dma_wait3A_33 = tpu.memref_slice %arg5[%dma_wait3A_31, %dma_wait3A_32] : memref<624x32xf32, #tpu.memory_space<hbm>> -> memref<16x32xf32, #tpu.memory_space<hbm>>
        tpu.wait_dma2 semaphore(%run_scoped3A : memref<!tpu.dma_semaphore, #tpu.memory_space<semaphore_mem>>) src(%dma_wait3A_33 : memref<16x32xf32, #tpu.memory_space<hbm>>) dst(%dma_wait3A_30 : memref<16x32xf32, #tpu.memory_space<vmem_shared>>)
        tpu.yield
      }) : () -> ()
      "tpu.region"() ({
        %run_scoped3A = tpu.sem_alloc : memref<!tpu.dma_semaphore, #tpu.memory_space<semaphore_mem>>
        %dma_start3A = arith.constant 10000 : i32
        %dma_start3A_24 = arith.constant 0 : i32
        %dma_start3A_25 = tpu.memref_slice %arg10[%dma_start3A, %dma_start3A_24] : memref<10008x32xf32, #tpu.memory_space<vmem_shared>> -> memref<8x32xf32, #tpu.memory_space<vmem_shared>>
        %dma_start3A_26 = arith.constant 0 : i32
        %dma_start3A_27 = arith.constant 0 : i32
        %dma_start3A_28 = tpu.memref_slice %arg5[%dma_start3A_26, %dma_start3A_27] : memref<624x32xf32, #tpu.memory_space<hbm>> -> memref<8x32xf32, #tpu.memory_space<hbm>>
        tpu.enqueue_dma source(%dma_start3A_28 : memref<8x32xf32, #tpu.memory_space<hbm>>) target(%dma_start3A_25 : memref<8x32xf32, #tpu.memory_space<vmem_shared>>) target_semaphore(%run_scoped3A : memref<!tpu.dma_semaphore, #tpu.memory_space<semaphore_mem>>)
        %dma_wait3A = arith.constant 10000 : i32
        %dma_wait3A_29 = arith.constant 0 : i32
        %dma_wait3A_30 = tpu.memref_slice %arg10[%dma_wait3A, %dma_wait3A_29] : memref<10008x32xf32, #tpu.memory_space<vmem_shared>> -> memref<8x32xf32, #tpu.memory_space<vmem_shared>>
        %dma_wait3A_31 = arith.constant 0 : i32
        %dma_wait3A_32 = arith.constant 0 : i32
        %dma_wait3A_33 = tpu.memref_slice %arg5[%dma_wait3A_31, %dma_wait3A_32] : memref<624x32xf32, #tpu.memory_space<hbm>> -> memref<8x32xf32, #tpu.memory_space<hbm>>
        tpu.wait_dma2 semaphore(%run_scoped3A : memref<!tpu.dma_semaphore, #tpu.memory_space<semaphore_mem>>) src(%dma_wait3A_33 : memref<8x32xf32, #tpu.memory_space<hbm>>) dst(%dma_wait3A_30 : memref<8x32xf32, #tpu.memory_space<vmem_shared>>)
        tpu.yield
      }) : () -> ()
    } else {
    }
    %barrier3A = arith.constant 0 : index
    tpu.barrier barrier_id(%barrier3A)
    %scan3A = arith.constant 0 : i32
    %scan3A_9 = arith.constant 0 : i32
    %scan3A_10 = arith.constant 80 : i32
    %scan3A_11 = arith.addi %scan3A_9, %scan3A_10 : i32
    %scan3A_12 = arith.constant 1 : i32
    scf.for %scan3A_24 = %scan3A_9 to %scan3A_11 step %scan3A_12  : i32 {
      %dma_start3A = arith.constant 0 : i32
      %dma_start3A_25 = tpu.memref_slice %arg7[%scan3A_24, %dma_start3A] : memref<80x128xi32, #tpu.memory_space<vmem>> -> memref<1x128xi32, #tpu.memory_space<vmem>>
      %dma_start3A_26 = tpu.memref_squeeze %dma_start3A_25 : memref<1x128xi32, #tpu.memory_space<vmem>> -> memref<128xi32, #tpu.memory_space<vmem>>
      %dma_start3A_27 = arith.constant 0 : i32
      %dma_start3A_28 = arith.constant 0 : i32
      %dma_start3A_29 = tpu.memref_slice %arg2[%dma_start3A_27, %dma_start3A_28] : memref<10000x32xf32, #tpu.memory_space<hbm>> -> memref<10000x32xf32, #tpu.memory_space<hbm>>
      tpu.enqueue_indirect_dma source(%dma_start3A_29 : memref<10000x32xf32, #tpu.memory_space<hbm>>) target(%arg9 : memref<128x32xf32, #tpu.memory_space<vmem>>) offsets(%dma_start3A_26 : memref<128xi32, #tpu.memory_space<vmem>>) semaphore(%arg11 : memref<!tpu.dma_semaphore, #tpu.memory_space<semaphore_mem>>)
      %dma_wait3A = arith.constant 0 : i32
      %dma_wait3A_30 = tpu.memref_slice %arg7[%scan3A_24, %dma_wait3A] : memref<80x128xi32, #tpu.memory_space<vmem>> -> memref<1x128xi32, #tpu.memory_space<vmem>>
      %dma_wait3A_31 = tpu.memref_squeeze %dma_wait3A_30 : memref<1x128xi32, #tpu.memory_space<vmem>> -> memref<128xi32, #tpu.memory_space<vmem>>
      %dma_wait3A_32 = arith.constant 0 : i32
      %dma_wait3A_33 = arith.constant 0 : i32
      %dma_wait3A_34 = tpu.memref_slice %arg2[%dma_wait3A_32, %dma_wait3A_33] : memref<10000x32xf32, #tpu.memory_space<hbm>> -> memref<10000x32xf32, #tpu.memory_space<hbm>>
      tpu.wait_indirect_dma semaphore(%arg11 : memref<!tpu.dma_semaphore, #tpu.memory_space<semaphore_mem>>) src(%dma_wait3A_34 : memref<10000x32xf32, #tpu.memory_space<hbm>>) dst(%arg9 : memref<128x32xf32, #tpu.memory_space<vmem>>)
      "tpu.region"() ({
        %run_scoped3A = tpu.sem_alloc : memref<!tpu.dma_semaphore, #tpu.memory_space<semaphore_mem>>
        %dma_start3A_35 = arith.constant 0 : i32
        %dma_start3A_36 = tpu.memref_slice %arg8[%scan3A_24, %dma_start3A_35] : memref<80x128xi32, #tpu.memory_space<vmem>> -> memref<1x128xi32, #tpu.memory_space<vmem>>
        %dma_start3A_37 = tpu.memref_squeeze %dma_start3A_36 : memref<1x128xi32, #tpu.memory_space<vmem>> -> memref<128xi32, #tpu.memory_space<vmem>>
        %dma_start3A_38 = arith.constant 0 : i32
        %dma_start3A_39 = arith.constant 0 : i32
        %dma_start3A_40 = tpu.memref_slice %arg10[%dma_start3A_38, %dma_start3A_39] : memref<10008x32xf32, #tpu.memory_space<vmem_shared>> -> memref<10008x32xf32, #tpu.memory_space<vmem_shared>>
        tpu.enqueue_indirect_dma source(%arg9 : memref<128x32xf32, #tpu.memory_space<vmem>>) target(%dma_start3A_40 : memref<10008x32xf32, #tpu.memory_space<vmem_shared>>) offsets(%dma_start3A_37 : memref<128xi32, #tpu.memory_space<vmem>>) semaphore(%run_scoped3A : memref<!tpu.dma_semaphore, #tpu.memory_space<semaphore_mem>>) {add = true}
        %dma_wait3A_41 = arith.constant 0 : i32
        %dma_wait3A_42 = tpu.memref_slice %arg8[%scan3A_24, %dma_wait3A_41] : memref<80x128xi32, #tpu.memory_space<vmem>> -> memref<1x128xi32, #tpu.memory_space<vmem>>
        %dma_wait3A_43 = tpu.memref_squeeze %dma_wait3A_42 : memref<1x128xi32, #tpu.memory_space<vmem>> -> memref<128xi32, #tpu.memory_space<vmem>>
        %dma_wait3A_44 = arith.constant 0 : i32
        %dma_wait3A_45 = arith.constant 0 : i32
        %dma_wait3A_46 = tpu.memref_slice %arg10[%dma_wait3A_44, %dma_wait3A_45] : memref<10008x32xf32, #tpu.memory_space<vmem_shared>> -> memref<10008x32xf32, #tpu.memory_space<vmem_shared>>
        tpu.wait_indirect_dma semaphore(%run_scoped3A : memref<!tpu.dma_semaphore, #tpu.memory_space<semaphore_mem>>) src(%arg9 : memref<128x32xf32, #tpu.memory_space<vmem>>) dst(%dma_wait3A_46 : memref<10008x32xf32, #tpu.memory_space<vmem_shared>>)
        tpu.yield
      }) : () -> ()
    }
    %scan3A_13 = arith.constant 80 : i32
    %barrier3A_14 = arith.constant 0 : index
    tpu.barrier barrier_id(%barrier3A_14)
    %mul3A_15 = arith.constant 624 : i32
    %mul3A_16 = arith.muli %arg1, %mul3A_15 : i32
    %mul3A_17 = arith.constant 624 : i32
    %mul3A_18 = arith.muli %arg1, %mul3A_17 : i32
    "tpu.region"() ({
      %run_scoped3A = tpu.sem_alloc : memref<!tpu.dma_semaphore, #tpu.memory_space<semaphore_mem>>
      %dma_start3A = arith.constant 0 : i32
      %dma_start3A_24 = tpu.memref_slice %arg6[%arg0, %mul3A_18, %dma_start3A] : memref<2x10000x32xf32, #tpu.memory_space<hbm>> -> memref<1x624x32xf32, #tpu.memory_space<hbm>>
      %dma_start3A_25 = tpu.memref_squeeze %dma_start3A_24 : memref<1x624x32xf32, #tpu.memory_space<hbm>> -> memref<624x32xf32, #tpu.memory_space<hbm>>
      %dma_start3A_26 = arith.constant 0 : i32
      %dma_start3A_27 = tpu.memref_slice %arg10[%mul3A_16, %dma_start3A_26] : memref<10008x32xf32, #tpu.memory_space<vmem_shared>> -> memref<624x32xf32, #tpu.memory_space<vmem_shared>>
      tpu.enqueue_dma source(%dma_start3A_27 : memref<624x32xf32, #tpu.memory_space<vmem_shared>>) target(%dma_start3A_25 : memref<624x32xf32, #tpu.memory_space<hbm>>) target_semaphore(%run_scoped3A : memref<!tpu.dma_semaphore, #tpu.memory_space<semaphore_mem>>)
      %dma_wait3A = arith.constant 0 : i32
      %dma_wait3A_28 = tpu.memref_slice %arg6[%arg0, %mul3A_18, %dma_wait3A] : memref<2x10000x32xf32, #tpu.memory_space<hbm>> -> memref<1x624x32xf32, #tpu.memory_space<hbm>>
      %dma_wait3A_29 = tpu.memref_squeeze %dma_wait3A_28 : memref<1x624x32xf32, #tpu.memory_space<hbm>> -> memref<624x32xf32, #tpu.memory_space<hbm>>
      %dma_wait3A_30 = arith.constant 0 : i32
      %dma_wait3A_31 = tpu.memref_slice %arg10[%mul3A_16, %dma_wait3A_30] : memref<10008x32xf32, #tpu.memory_space<vmem_shared>> -> memref<624x32xf32, #tpu.memory_space<vmem_shared>>
      tpu.wait_dma2 semaphore(%run_scoped3A : memref<!tpu.dma_semaphore, #tpu.memory_space<semaphore_mem>>) src(%dma_wait3A_31 : memref<624x32xf32, #tpu.memory_space<vmem_shared>>) dst(%dma_wait3A_29 : memref<624x32xf32, #tpu.memory_space<hbm>>)
      tpu.yield
    }) : () -> ()
    %eq3A_19 = arith.constant 15 : i32
    %eq3A_20 = arith.cmpi eq, %arg1, %eq3A_19 : i32
    %convert_element_type3A_21 = arith.extui %eq3A_20 : i1 to i32
    %cond3A_22 = arith.constant 0 : i32
    %cond3A_23 = arith.cmpi ne, %convert_element_type3A_21, %cond3A_22 : i32
    scf.if %cond3A_23 {
      "tpu.region"() ({
        %run_scoped3A = tpu.sem_alloc : memref<!tpu.dma_semaphore, #tpu.memory_space<semaphore_mem>>
        %dma_start3A = arith.constant 9984 : i32
        %dma_start3A_24 = arith.constant 0 : i32
        %dma_start3A_25 = tpu.memref_slice %arg6[%arg0, %dma_start3A, %dma_start3A_24] : memref<2x10000x32xf32, #tpu.memory_space<hbm>> -> memref<1x16x32xf32, #tpu.memory_space<hbm>>
        %dma_start3A_26 = tpu.memref_squeeze %dma_start3A_25 : memref<1x16x32xf32, #tpu.memory_space<hbm>> -> memref<16x32xf32, #tpu.memory_space<hbm>>
        %dma_start3A_27 = arith.constant 9984 : i32
        %dma_start3A_28 = arith.constant 0 : i32
        %dma_start3A_29 = tpu.memref_slice %arg10[%dma_start3A_27, %dma_start3A_28] : memref<10008x32xf32, #tpu.memory_space<vmem_shared>> -> memref<16x32xf32, #tpu.memory_space<vmem_shared>>
        tpu.enqueue_dma source(%dma_start3A_29 : memref<16x32xf32, #tpu.memory_space<vmem_shared>>) target(%dma_start3A_26 : memref<16x32xf32, #tpu.memory_space<hbm>>) target_semaphore(%run_scoped3A : memref<!tpu.dma_semaphore, #tpu.memory_space<semaphore_mem>>)
        %dma_wait3A = arith.constant 9984 : i32
        %dma_wait3A_30 = arith.constant 0 : i32
        %dma_wait3A_31 = tpu.memref_slice %arg6[%arg0, %dma_wait3A, %dma_wait3A_30] : memref<2x10000x32xf32, #tpu.memory_space<hbm>> -> memref<1x16x32xf32, #tpu.memory_space<hbm>>
        %dma_wait3A_32 = tpu.memref_squeeze %dma_wait3A_31 : memref<1x16x32xf32, #tpu.memory_space<hbm>> -> memref<16x32xf32, #tpu.memory_space<hbm>>
        %dma_wait3A_33 = arith.constant 9984 : i32
        %dma_wait3A_34 = arith.constant 0 : i32
        %dma_wait3A_35 = tpu.memref_slice %arg10[%dma_wait3A_33, %dma_wait3A_34] : memref<10008x32xf32, #tpu.memory_space<vmem_shared>> -> memref<16x32xf32, #tpu.memory_space<vmem_shared>>
        tpu.wait_dma2 semaphore(%run_scoped3A : memref<!tpu.dma_semaphore, #tpu.memory_space<semaphore_mem>>) src(%dma_wait3A_35 : memref<16x32xf32, #tpu.memory_space<vmem_shared>>) dst(%dma_wait3A_32 : memref<16x32xf32, #tpu.memory_space<hbm>>)
        tpu.yield
      }) : () -> ()
    } else {
    }
    return
  }
}

#map = affine_map<(d0, d1) -> (0, 0)>
#map1 = affine_map<(d0, d1) -> (0, 0, 0)>
module attributes {stable_mosaic.version = 14 : i64} {
  func.func @k(%arg0: i32, %arg1: i32, %arg2: memref<128x16xf32, #tpu.memory_space<hbm>>, %arg3: memref<2560x128xi32, #tpu.memory_space<hbm>>, %arg4: memref<624x16xf32, #tpu.memory_space<hbm>>, %arg5: memref<2x10000x16xf32, #tpu.memory_space<hbm>>, %arg6: memref<80x128xi32, #tpu.memory_space<vmem>>, %arg7: memref<128x16xf32, #tpu.memory_space<vmem>>, %arg8: memref<10008x16xf32, #tpu.memory_space<vmem_shared>>) attributes {dimension_semantics = [#tpu.dimension_semantics<core_parallel>, #tpu.dimension_semantics<subcore_parallel>], iteration_bounds = array<i64: 2, 16>, scalar_prefetch = 0 : i64, scratch_operands = 3 : i64, tpu.core_type = #tpu.core_type<sc_vector_subcore>, window_params = [{transform_indices = #map}, {transform_indices = #map}, {transform_indices = #map}, {transform_indices = #map1}]} {
    %mul3A = arith.constant 16 : i32
    %mul3A_0 = arith.muli %arg0, %mul3A : i32
    %add3A = arith.addi %mul3A_0, %arg1 : i32
    %mul3A_1 = arith.constant 80 : i32
    %mul3A_2 = arith.muli %add3A, %mul3A_1 : i32
    "tpu.region"() ({
      %run_scoped3A = tpu.sem_alloc : memref<!tpu.dma_semaphore, #tpu.memory_space<semaphore_mem>>
      %dma_start3A = arith.constant 0 : i32
      %dma_start3A_22 = tpu.memref_slice %arg3[%mul3A_2, %dma_start3A] : memref<2560x128xi32, #tpu.memory_space<hbm>> -> memref<80x128xi32, #tpu.memory_space<hbm>>
      %dma_start3A_23 = arith.constant 0 : i32
      %dma_start3A_24 = tpu.memref_slice %arg3[%mul3A_2, %dma_start3A_23] : memref<2560x128xi32, #tpu.memory_space<hbm>> -> memref<80x128xi32, #tpu.memory_space<hbm>>
      tpu.enqueue_dma source(%dma_start3A_24 : memref<80x128xi32, #tpu.memory_space<hbm>>) target(%arg6 : memref<80x128xi32, #tpu.memory_space<vmem>>) target_semaphore(%run_scoped3A : memref<!tpu.dma_semaphore, #tpu.memory_space<semaphore_mem>>)
      %dma_wait3A = arith.constant 0 : i32
      %dma_wait3A_25 = tpu.memref_slice %arg3[%mul3A_2, %dma_wait3A] : memref<2560x128xi32, #tpu.memory_space<hbm>> -> memref<80x128xi32, #tpu.memory_space<hbm>>
      %dma_wait3A_26 = arith.constant 0 : i32
      %dma_wait3A_27 = tpu.memref_slice %arg3[%mul3A_2, %dma_wait3A_26] : memref<2560x128xi32, #tpu.memory_space<hbm>> -> memref<80x128xi32, #tpu.memory_space<hbm>>
      tpu.wait_dma2 semaphore(%run_scoped3A : memref<!tpu.dma_semaphore, #tpu.memory_space<semaphore_mem>>) src(%dma_wait3A_27 : memref<80x128xi32, #tpu.memory_space<hbm>>) dst(%arg6 : memref<80x128xi32, #tpu.memory_space<vmem>>)
      tpu.yield
    }) : () -> ()
    "tpu.region"() ({
      %run_scoped3A = tpu.sem_alloc : memref<!tpu.dma_semaphore, #tpu.memory_space<semaphore_mem>>
      tpu.enqueue_dma source(%arg2 : memref<128x16xf32, #tpu.memory_space<hbm>>) target(%arg7 : memref<128x16xf32, #tpu.memory_space<vmem>>) target_semaphore(%run_scoped3A : memref<!tpu.dma_semaphore, #tpu.memory_space<semaphore_mem>>)
      tpu.wait_dma2 semaphore(%run_scoped3A : memref<!tpu.dma_semaphore, #tpu.memory_space<semaphore_mem>>) src(%arg2 : memref<128x16xf32, #tpu.memory_space<hbm>>) dst(%arg7 : memref<128x16xf32, #tpu.memory_space<vmem>>)
      tpu.yield
    }) : () -> ()
    %mul3A_3 = arith.constant 624 : i32
    %mul3A_4 = arith.muli %arg1, %mul3A_3 : i32
    "tpu.region"() ({
      %run_scoped3A = tpu.sem_alloc : memref<!tpu.dma_semaphore, #tpu.memory_space<semaphore_mem>>
      %dma_start3A = arith.constant 0 : i32
      %dma_start3A_22 = tpu.memref_slice %arg8[%mul3A_4, %dma_start3A] : memref<10008x16xf32, #tpu.memory_space<vmem_shared>> -> memref<624x16xf32, #tpu.memory_space<vmem_shared>>
      tpu.enqueue_dma source(%arg4 : memref<624x16xf32, #tpu.memory_space<hbm>>) target(%dma_start3A_22 : memref<624x16xf32, #tpu.memory_space<vmem_shared>>) target_semaphore(%run_scoped3A : memref<!tpu.dma_semaphore, #tpu.memory_space<semaphore_mem>>)
      %dma_wait3A = arith.constant 0 : i32
      %dma_wait3A_23 = tpu.memref_slice %arg8[%mul3A_4, %dma_wait3A] : memref<10008x16xf32, #tpu.memory_space<vmem_shared>> -> memref<624x16xf32, #tpu.memory_space<vmem_shared>>
      tpu.wait_dma2 semaphore(%run_scoped3A : memref<!tpu.dma_semaphore, #tpu.memory_space<semaphore_mem>>) src(%arg4 : memref<624x16xf32, #tpu.memory_space<hbm>>) dst(%dma_wait3A_23 : memref<624x16xf32, #tpu.memory_space<vmem_shared>>)
      tpu.yield
    }) : () -> ()
    %eq3A = arith.constant 15 : i32
    %eq3A_5 = arith.cmpi eq, %arg1, %eq3A : i32
    %convert_element_type3A = arith.extui %eq3A_5 : i1 to i32
    %cond3A = arith.constant 0 : i32
    %cond3A_6 = arith.cmpi ne, %convert_element_type3A, %cond3A : i32
    scf.if %cond3A_6 {
      "tpu.region"() ({
        %run_scoped3A = tpu.sem_alloc : memref<!tpu.dma_semaphore, #tpu.memory_space<semaphore_mem>>
        %dma_start3A = arith.constant 9984 : i32
        %dma_start3A_22 = arith.constant 0 : i32
        %dma_start3A_23 = tpu.memref_slice %arg8[%dma_start3A, %dma_start3A_22] : memref<10008x16xf32, #tpu.memory_space<vmem_shared>> -> memref<16x16xf32, #tpu.memory_space<vmem_shared>>
        %dma_start3A_24 = arith.constant 0 : i32
        %dma_start3A_25 = arith.constant 0 : i32
        %dma_start3A_26 = tpu.memref_slice %arg4[%dma_start3A_24, %dma_start3A_25] : memref<624x16xf32, #tpu.memory_space<hbm>> -> memref<16x16xf32, #tpu.memory_space<hbm>>
        tpu.enqueue_dma source(%dma_start3A_26 : memref<16x16xf32, #tpu.memory_space<hbm>>) target(%dma_start3A_23 : memref<16x16xf32, #tpu.memory_space<vmem_shared>>) target_semaphore(%run_scoped3A : memref<!tpu.dma_semaphore, #tpu.memory_space<semaphore_mem>>)
        %dma_wait3A = arith.constant 9984 : i32
        %dma_wait3A_27 = arith.constant 0 : i32
        %dma_wait3A_28 = tpu.memref_slice %arg8[%dma_wait3A, %dma_wait3A_27] : memref<10008x16xf32, #tpu.memory_space<vmem_shared>> -> memref<16x16xf32, #tpu.memory_space<vmem_shared>>
        %dma_wait3A_29 = arith.constant 0 : i32
        %dma_wait3A_30 = arith.constant 0 : i32
        %dma_wait3A_31 = tpu.memref_slice %arg4[%dma_wait3A_29, %dma_wait3A_30] : memref<624x16xf32, #tpu.memory_space<hbm>> -> memref<16x16xf32, #tpu.memory_space<hbm>>
        tpu.wait_dma2 semaphore(%run_scoped3A : memref<!tpu.dma_semaphore, #tpu.memory_space<semaphore_mem>>) src(%dma_wait3A_31 : memref<16x16xf32, #tpu.memory_space<hbm>>) dst(%dma_wait3A_28 : memref<16x16xf32, #tpu.memory_space<vmem_shared>>)
        tpu.yield
      }) : () -> ()
      "tpu.region"() ({
        %run_scoped3A = tpu.sem_alloc : memref<!tpu.dma_semaphore, #tpu.memory_space<semaphore_mem>>
        %dma_start3A = arith.constant 10000 : i32
        %dma_start3A_22 = arith.constant 0 : i32
        %dma_start3A_23 = tpu.memref_slice %arg8[%dma_start3A, %dma_start3A_22] : memref<10008x16xf32, #tpu.memory_space<vmem_shared>> -> memref<8x16xf32, #tpu.memory_space<vmem_shared>>
        %dma_start3A_24 = arith.constant 0 : i32
        %dma_start3A_25 = arith.constant 0 : i32
        %dma_start3A_26 = tpu.memref_slice %arg4[%dma_start3A_24, %dma_start3A_25] : memref<624x16xf32, #tpu.memory_space<hbm>> -> memref<8x16xf32, #tpu.memory_space<hbm>>
        tpu.enqueue_dma source(%dma_start3A_26 : memref<8x16xf32, #tpu.memory_space<hbm>>) target(%dma_start3A_23 : memref<8x16xf32, #tpu.memory_space<vmem_shared>>) target_semaphore(%run_scoped3A : memref<!tpu.dma_semaphore, #tpu.memory_space<semaphore_mem>>)
        %dma_wait3A = arith.constant 10000 : i32
        %dma_wait3A_27 = arith.constant 0 : i32
        %dma_wait3A_28 = tpu.memref_slice %arg8[%dma_wait3A, %dma_wait3A_27] : memref<10008x16xf32, #tpu.memory_space<vmem_shared>> -> memref<8x16xf32, #tpu.memory_space<vmem_shared>>
        %dma_wait3A_29 = arith.constant 0 : i32
        %dma_wait3A_30 = arith.constant 0 : i32
        %dma_wait3A_31 = tpu.memref_slice %arg4[%dma_wait3A_29, %dma_wait3A_30] : memref<624x16xf32, #tpu.memory_space<hbm>> -> memref<8x16xf32, #tpu.memory_space<hbm>>
        tpu.wait_dma2 semaphore(%run_scoped3A : memref<!tpu.dma_semaphore, #tpu.memory_space<semaphore_mem>>) src(%dma_wait3A_31 : memref<8x16xf32, #tpu.memory_space<hbm>>) dst(%dma_wait3A_28 : memref<8x16xf32, #tpu.memory_space<vmem_shared>>)
        tpu.yield
      }) : () -> ()
    } else {
    }
    %barrier3A = arith.constant 0 : index
    tpu.barrier barrier_id(%barrier3A)
    %scan3A = arith.constant 0 : i32
    %scan3A_7 = arith.constant 0 : i32
    %scan3A_8 = arith.constant 80 : i32
    %scan3A_9 = arith.addi %scan3A_7, %scan3A_8 : i32
    %scan3A_10 = arith.constant 1 : i32
    scf.for %scan3A_22 = %scan3A_7 to %scan3A_9 step %scan3A_10  : i32 {
      "tpu.region"() ({
        %run_scoped3A = tpu.sem_alloc : memref<!tpu.dma_semaphore, #tpu.memory_space<semaphore_mem>>
        %dma_start3A = arith.constant 0 : i32
        %dma_start3A_23 = tpu.memref_slice %arg6[%scan3A_22, %dma_start3A] : memref<80x128xi32, #tpu.memory_space<vmem>> -> memref<1x128xi32, #tpu.memory_space<vmem>>
        %dma_start3A_24 = tpu.memref_squeeze %dma_start3A_23 : memref<1x128xi32, #tpu.memory_space<vmem>> -> memref<128xi32, #tpu.memory_space<vmem>>
        %dma_start3A_25 = arith.constant 0 : i32
        %dma_start3A_26 = arith.constant 0 : i32
        %dma_start3A_27 = tpu.memref_slice %arg8[%dma_start3A_25, %dma_start3A_26] : memref<10008x16xf32, #tpu.memory_space<vmem_shared>> -> memref<10008x16xf32, #tpu.memory_space<vmem_shared>>
        tpu.enqueue_indirect_dma source(%arg7 : memref<128x16xf32, #tpu.memory_space<vmem>>) target(%dma_start3A_27 : memref<10008x16xf32, #tpu.memory_space<vmem_shared>>) offsets(%dma_start3A_24 : memref<128xi32, #tpu.memory_space<vmem>>) semaphore(%run_scoped3A : memref<!tpu.dma_semaphore, #tpu.memory_space<semaphore_mem>>) {add = true}
        %dma_wait3A = arith.constant 0 : i32
        %dma_wait3A_28 = tpu.memref_slice %arg6[%scan3A_22, %dma_wait3A] : memref<80x128xi32, #tpu.memory_space<vmem>> -> memref<1x128xi32, #tpu.memory_space<vmem>>
        %dma_wait3A_29 = tpu.memref_squeeze %dma_wait3A_28 : memref<1x128xi32, #tpu.memory_space<vmem>> -> memref<128xi32, #tpu.memory_space<vmem>>
        %dma_wait3A_30 = arith.constant 0 : i32
        %dma_wait3A_31 = arith.constant 0 : i32
        %dma_wait3A_32 = tpu.memref_slice %arg8[%dma_wait3A_30, %dma_wait3A_31] : memref<10008x16xf32, #tpu.memory_space<vmem_shared>> -> memref<10008x16xf32, #tpu.memory_space<vmem_shared>>
        tpu.wait_indirect_dma semaphore(%run_scoped3A : memref<!tpu.dma_semaphore, #tpu.memory_space<semaphore_mem>>) src(%arg7 : memref<128x16xf32, #tpu.memory_space<vmem>>) dst(%dma_wait3A_32 : memref<10008x16xf32, #tpu.memory_space<vmem_shared>>)
        tpu.yield
      }) : () -> ()
    }
    %scan3A_11 = arith.constant 80 : i32
    %barrier3A_12 = arith.constant 0 : index
    tpu.barrier barrier_id(%barrier3A_12)
    %mul3A_13 = arith.constant 624 : i32
    %mul3A_14 = arith.muli %arg1, %mul3A_13 : i32
    %mul3A_15 = arith.constant 624 : i32
    %mul3A_16 = arith.muli %arg1, %mul3A_15 : i32
    "tpu.region"() ({
      %run_scoped3A = tpu.sem_alloc : memref<!tpu.dma_semaphore, #tpu.memory_space<semaphore_mem>>
      %dma_start3A = arith.constant 0 : i32
      %dma_start3A_22 = tpu.memref_slice %arg5[%arg0, %mul3A_16, %dma_start3A] : memref<2x10000x16xf32, #tpu.memory_space<hbm>> -> memref<1x624x16xf32, #tpu.memory_space<hbm>>
      %dma_start3A_23 = tpu.memref_squeeze %dma_start3A_22 : memref<1x624x16xf32, #tpu.memory_space<hbm>> -> memref<624x16xf32, #tpu.memory_space<hbm>>
      %dma_start3A_24 = arith.constant 0 : i32
      %dma_start3A_25 = tpu.memref_slice %arg8[%mul3A_14, %dma_start3A_24] : memref<10008x16xf32, #tpu.memory_space<vmem_shared>> -> memref<624x16xf32, #tpu.memory_space<vmem_shared>>
      tpu.enqueue_dma source(%dma_start3A_25 : memref<624x16xf32, #tpu.memory_space<vmem_shared>>) target(%dma_start3A_23 : memref<624x16xf32, #tpu.memory_space<hbm>>) target_semaphore(%run_scoped3A : memref<!tpu.dma_semaphore, #tpu.memory_space<semaphore_mem>>)
      %dma_wait3A = arith.constant 0 : i32
      %dma_wait3A_26 = tpu.memref_slice %arg5[%arg0, %mul3A_16, %dma_wait3A] : memref<2x10000x16xf32, #tpu.memory_space<hbm>> -> memref<1x624x16xf32, #tpu.memory_space<hbm>>
      %dma_wait3A_27 = tpu.memref_squeeze %dma_wait3A_26 : memref<1x624x16xf32, #tpu.memory_space<hbm>> -> memref<624x16xf32, #tpu.memory_space<hbm>>
      %dma_wait3A_28 = arith.constant 0 : i32
      %dma_wait3A_29 = tpu.memref_slice %arg8[%mul3A_14, %dma_wait3A_28] : memref<10008x16xf32, #tpu.memory_space<vmem_shared>> -> memref<624x16xf32, #tpu.memory_space<vmem_shared>>
      tpu.wait_dma2 semaphore(%run_scoped3A : memref<!tpu.dma_semaphore, #tpu.memory_space<semaphore_mem>>) src(%dma_wait3A_29 : memref<624x16xf32, #tpu.memory_space<vmem_shared>>) dst(%dma_wait3A_27 : memref<624x16xf32, #tpu.memory_space<hbm>>)
      tpu.yield
    }) : () -> ()
    %eq3A_17 = arith.constant 15 : i32
    %eq3A_18 = arith.cmpi eq, %arg1, %eq3A_17 : i32
    %convert_element_type3A_19 = arith.extui %eq3A_18 : i1 to i32
    %cond3A_20 = arith.constant 0 : i32
    %cond3A_21 = arith.cmpi ne, %convert_element_type3A_19, %cond3A_20 : i32
    scf.if %cond3A_21 {
      "tpu.region"() ({
        %run_scoped3A = tpu.sem_alloc : memref<!tpu.dma_semaphore, #tpu.memory_space<semaphore_mem>>
        %dma_start3A = arith.constant 9984 : i32
        %dma_start3A_22 = arith.constant 0 : i32
        %dma_start3A_23 = tpu.memref_slice %arg5[%arg0, %dma_start3A, %dma_start3A_22] : memref<2x10000x16xf32, #tpu.memory_space<hbm>> -> memref<1x16x16xf32, #tpu.memory_space<hbm>>
        %dma_start3A_24 = tpu.memref_squeeze %dma_start3A_23 : memref<1x16x16xf32, #tpu.memory_space<hbm>> -> memref<16x16xf32, #tpu.memory_space<hbm>>
        %dma_start3A_25 = arith.constant 9984 : i32
        %dma_start3A_26 = arith.constant 0 : i32
        %dma_start3A_27 = tpu.memref_slice %arg8[%dma_start3A_25, %dma_start3A_26] : memref<10008x16xf32, #tpu.memory_space<vmem_shared>> -> memref<16x16xf32, #tpu.memory_space<vmem_shared>>
        tpu.enqueue_dma source(%dma_start3A_27 : memref<16x16xf32, #tpu.memory_space<vmem_shared>>) target(%dma_start3A_24 : memref<16x16xf32, #tpu.memory_space<hbm>>) target_semaphore(%run_scoped3A : memref<!tpu.dma_semaphore, #tpu.memory_space<semaphore_mem>>)
        %dma_wait3A = arith.constant 9984 : i32
        %dma_wait3A_28 = arith.constant 0 : i32
        %dma_wait3A_29 = tpu.memref_slice %arg5[%arg0, %dma_wait3A, %dma_wait3A_28] : memref<2x10000x16xf32, #tpu.memory_space<hbm>> -> memref<1x16x16xf32, #tpu.memory_space<hbm>>
        %dma_wait3A_30 = tpu.memref_squeeze %dma_wait3A_29 : memref<1x16x16xf32, #tpu.memory_space<hbm>> -> memref<16x16xf32, #tpu.memory_space<hbm>>
        %dma_wait3A_31 = arith.constant 9984 : i32
        %dma_wait3A_32 = arith.constant 0 : i32
        %dma_wait3A_33 = tpu.memref_slice %arg8[%dma_wait3A_31, %dma_wait3A_32] : memref<10008x16xf32, #tpu.memory_space<vmem_shared>> -> memref<16x16xf32, #tpu.memory_space<vmem_shared>>
        tpu.wait_dma2 semaphore(%run_scoped3A : memref<!tpu.dma_semaphore, #tpu.memory_space<semaphore_mem>>) src(%dma_wait3A_33 : memref<16x16xf32, #tpu.memory_space<vmem_shared>>) dst(%dma_wait3A_30 : memref<16x16xf32, #tpu.memory_space<hbm>>)
        tpu.yield
      }) : () -> ()
    } else {
    }
    return
  }
}

#map = affine_map<(d0, d1) -> (0, 0)>
#map1 = affine_map<(d0, d1) -> (0, 0, 0)>
module attributes {stable_mosaic.version = 14 : i64} {
  func.func @k(%arg0: i32, %arg1: i32, %arg2: memref<10000x64xf32, #tpu.memory_space<hbm>>, %arg3: memref<2560x128xi32, #tpu.memory_space<hbm>>, %arg4: memref<2560x128xi32, #tpu.memory_space<hbm>>, %arg5: memref<624x64xf32, #tpu.memory_space<hbm>>, %arg6: memref<2x10000x64xf32, #tpu.memory_space<hbm>>, %arg7: memref<80x128xi32, #tpu.memory_space<vmem>>, %arg8: memref<80x128xi32, #tpu.memory_space<vmem>>, %arg9: memref<128x64xf32, #tpu.memory_space<vmem>>, %arg10: memref<10008x64xf32, #tpu.memory_space<vmem_shared>>, %arg11: memref<!tpu.dma_semaphore, #tpu.memory_space<semaphore_mem>>) attributes {dimension_semantics = [#tpu.dimension_semantics<core_parallel>, #tpu.dimension_semantics<subcore_parallel>], iteration_bounds = array<i64: 2, 16>, scalar_prefetch = 0 : i64, scratch_operands = 5 : i64, tpu.core_type = #tpu.core_type<sc_vector_subcore>, window_params = [{transform_indices = #map}, {transform_indices = #map}, {transform_indices = #map}, {transform_indices = #map}, {transform_indices = #map1}]} {
    %mul3A = arith.constant 16 : i32
    %mul3A_0 = arith.muli %arg0, %mul3A : i32
    %add3A = arith.addi %mul3A_0, %arg1 : i32
    %mul3A_1 = arith.constant 80 : i32
    %mul3A_2 = arith.muli %add3A, %mul3A_1 : i32
    "tpu.region"() ({
      %run_scoped3A = tpu.sem_alloc : memref<!tpu.dma_semaphore, #tpu.memory_space<semaphore_mem>>
      %dma_start3A = arith.constant 0 : i32
      %dma_start3A_24 = tpu.memref_slice %arg3[%mul3A_2, %dma_start3A] : memref<2560x128xi32, #tpu.memory_space<hbm>> -> memref<80x128xi32, #tpu.memory_space<hbm>>
      %dma_start3A_25 = arith.constant 0 : i32
      %dma_start3A_26 = tpu.memref_slice %arg3[%mul3A_2, %dma_start3A_25] : memref<2560x128xi32, #tpu.memory_space<hbm>> -> memref<80x128xi32, #tpu.memory_space<hbm>>
      tpu.enqueue_dma source(%dma_start3A_26 : memref<80x128xi32, #tpu.memory_space<hbm>>) target(%arg7 : memref<80x128xi32, #tpu.memory_space<vmem>>) target_semaphore(%run_scoped3A : memref<!tpu.dma_semaphore, #tpu.memory_space<semaphore_mem>>)
      %dma_wait3A = arith.constant 0 : i32
      %dma_wait3A_27 = tpu.memref_slice %arg3[%mul3A_2, %dma_wait3A] : memref<2560x128xi32, #tpu.memory_space<hbm>> -> memref<80x128xi32, #tpu.memory_space<hbm>>
      %dma_wait3A_28 = arith.constant 0 : i32
      %dma_wait3A_29 = tpu.memref_slice %arg3[%mul3A_2, %dma_wait3A_28] : memref<2560x128xi32, #tpu.memory_space<hbm>> -> memref<80x128xi32, #tpu.memory_space<hbm>>
      tpu.wait_dma2 semaphore(%run_scoped3A : memref<!tpu.dma_semaphore, #tpu.memory_space<semaphore_mem>>) src(%dma_wait3A_29 : memref<80x128xi32, #tpu.memory_space<hbm>>) dst(%arg7 : memref<80x128xi32, #tpu.memory_space<vmem>>)
      tpu.yield
    }) : () -> ()
    %mul3A_3 = arith.constant 80 : i32
    %mul3A_4 = arith.muli %add3A, %mul3A_3 : i32
    "tpu.region"() ({
      %run_scoped3A = tpu.sem_alloc : memref<!tpu.dma_semaphore, #tpu.memory_space<semaphore_mem>>
      %dma_start3A = arith.constant 0 : i32
      %dma_start3A_24 = tpu.memref_slice %arg4[%mul3A_4, %dma_start3A] : memref<2560x128xi32, #tpu.memory_space<hbm>> -> memref<80x128xi32, #tpu.memory_space<hbm>>
      %dma_start3A_25 = arith.constant 0 : i32
      %dma_start3A_26 = tpu.memref_slice %arg4[%mul3A_4, %dma_start3A_25] : memref<2560x128xi32, #tpu.memory_space<hbm>> -> memref<80x128xi32, #tpu.memory_space<hbm>>
      tpu.enqueue_dma source(%dma_start3A_26 : memref<80x128xi32, #tpu.memory_space<hbm>>) target(%arg8 : memref<80x128xi32, #tpu.memory_space<vmem>>) target_semaphore(%run_scoped3A : memref<!tpu.dma_semaphore, #tpu.memory_space<semaphore_mem>>)
      %dma_wait3A = arith.constant 0 : i32
      %dma_wait3A_27 = tpu.memref_slice %arg4[%mul3A_4, %dma_wait3A] : memref<2560x128xi32, #tpu.memory_space<hbm>> -> memref<80x128xi32, #tpu.memory_space<hbm>>
      %dma_wait3A_28 = arith.constant 0 : i32
      %dma_wait3A_29 = tpu.memref_slice %arg4[%mul3A_4, %dma_wait3A_28] : memref<2560x128xi32, #tpu.memory_space<hbm>> -> memref<80x128xi32, #tpu.memory_space<hbm>>
      tpu.wait_dma2 semaphore(%run_scoped3A : memref<!tpu.dma_semaphore, #tpu.memory_space<semaphore_mem>>) src(%dma_wait3A_29 : memref<80x128xi32, #tpu.memory_space<hbm>>) dst(%arg8 : memref<80x128xi32, #tpu.memory_space<vmem>>)
      tpu.yield
    }) : () -> ()
    %mul3A_5 = arith.constant 624 : i32
    %mul3A_6 = arith.muli %arg1, %mul3A_5 : i32
    "tpu.region"() ({
      %run_scoped3A = tpu.sem_alloc : memref<!tpu.dma_semaphore, #tpu.memory_space<semaphore_mem>>
      %dma_start3A = arith.constant 0 : i32
      %dma_start3A_24 = tpu.memref_slice %arg10[%mul3A_6, %dma_start3A] : memref<10008x64xf32, #tpu.memory_space<vmem_shared>> -> memref<624x64xf32, #tpu.memory_space<vmem_shared>>
      tpu.enqueue_dma source(%arg5 : memref<624x64xf32, #tpu.memory_space<hbm>>) target(%dma_start3A_24 : memref<624x64xf32, #tpu.memory_space<vmem_shared>>) target_semaphore(%run_scoped3A : memref<!tpu.dma_semaphore, #tpu.memory_space<semaphore_mem>>)
      %dma_wait3A = arith.constant 0 : i32
      %dma_wait3A_25 = tpu.memref_slice %arg10[%mul3A_6, %dma_wait3A] : memref<10008x64xf32, #tpu.memory_space<vmem_shared>> -> memref<624x64xf32, #tpu.memory_space<vmem_shared>>
      tpu.wait_dma2 semaphore(%run_scoped3A : memref<!tpu.dma_semaphore, #tpu.memory_space<semaphore_mem>>) src(%arg5 : memref<624x64xf32, #tpu.memory_space<hbm>>) dst(%dma_wait3A_25 : memref<624x64xf32, #tpu.memory_space<vmem_shared>>)
      tpu.yield
    }) : () -> ()
    %eq3A = arith.constant 15 : i32
    %eq3A_7 = arith.cmpi eq, %arg1, %eq3A : i32
    %convert_element_type3A = arith.extui %eq3A_7 : i1 to i32
    %cond3A = arith.constant 0 : i32
    %cond3A_8 = arith.cmpi ne, %convert_element_type3A, %cond3A : i32
    scf.if %cond3A_8 {
      "tpu.region"() ({
        %run_scoped3A = tpu.sem_alloc : memref<!tpu.dma_semaphore, #tpu.memory_space<semaphore_mem>>
        %dma_start3A = arith.constant 9984 : i32
        %dma_start3A_24 = arith.constant 0 : i32
        %dma_start3A_25 = tpu.memref_slice %arg10[%dma_start3A, %dma_start3A_24] : memref<10008x64xf32, #tpu.memory_space<vmem_shared>> -> memref<16x64xf32, #tpu.memory_space<vmem_shared>>
        %dma_start3A_26 = arith.constant 0 : i32
        %dma_start3A_27 = arith.constant 0 : i32
        %dma_start3A_28 = tpu.memref_slice %arg5[%dma_start3A_26, %dma_start3A_27] : memref<624x64xf32, #tpu.memory_space<hbm>> -> memref<16x64xf32, #tpu.memory_space<hbm>>
        tpu.enqueue_dma source(%dma_start3A_28 : memref<16x64xf32, #tpu.memory_space<hbm>>) target(%dma_start3A_25 : memref<16x64xf32, #tpu.memory_space<vmem_shared>>) target_semaphore(%run_scoped3A : memref<!tpu.dma_semaphore, #tpu.memory_space<semaphore_mem>>)
        %dma_wait3A = arith.constant 9984 : i32
        %dma_wait3A_29 = arith.constant 0 : i32
        %dma_wait3A_30 = tpu.memref_slice %arg10[%dma_wait3A, %dma_wait3A_29] : memref<10008x64xf32, #tpu.memory_space<vmem_shared>> -> memref<16x64xf32, #tpu.memory_space<vmem_shared>>
        %dma_wait3A_31 = arith.constant 0 : i32
        %dma_wait3A_32 = arith.constant 0 : i32
        %dma_wait3A_33 = tpu.memref_slice %arg5[%dma_wait3A_31, %dma_wait3A_32] : memref<624x64xf32, #tpu.memory_space<hbm>> -> memref<16x64xf32, #tpu.memory_space<hbm>>
        tpu.wait_dma2 semaphore(%run_scoped3A : memref<!tpu.dma_semaphore, #tpu.memory_space<semaphore_mem>>) src(%dma_wait3A_33 : memref<16x64xf32, #tpu.memory_space<hbm>>) dst(%dma_wait3A_30 : memref<16x64xf32, #tpu.memory_space<vmem_shared>>)
        tpu.yield
      }) : () -> ()
      "tpu.region"() ({
        %run_scoped3A = tpu.sem_alloc : memref<!tpu.dma_semaphore, #tpu.memory_space<semaphore_mem>>
        %dma_start3A = arith.constant 10000 : i32
        %dma_start3A_24 = arith.constant 0 : i32
        %dma_start3A_25 = tpu.memref_slice %arg10[%dma_start3A, %dma_start3A_24] : memref<10008x64xf32, #tpu.memory_space<vmem_shared>> -> memref<8x64xf32, #tpu.memory_space<vmem_shared>>
        %dma_start3A_26 = arith.constant 0 : i32
        %dma_start3A_27 = arith.constant 0 : i32
        %dma_start3A_28 = tpu.memref_slice %arg5[%dma_start3A_26, %dma_start3A_27] : memref<624x64xf32, #tpu.memory_space<hbm>> -> memref<8x64xf32, #tpu.memory_space<hbm>>
        tpu.enqueue_dma source(%dma_start3A_28 : memref<8x64xf32, #tpu.memory_space<hbm>>) target(%dma_start3A_25 : memref<8x64xf32, #tpu.memory_space<vmem_shared>>) target_semaphore(%run_scoped3A : memref<!tpu.dma_semaphore, #tpu.memory_space<semaphore_mem>>)
        %dma_wait3A = arith.constant 10000 : i32
        %dma_wait3A_29 = arith.constant 0 : i32
        %dma_wait3A_30 = tpu.memref_slice %arg10[%dma_wait3A, %dma_wait3A_29] : memref<10008x64xf32, #tpu.memory_space<vmem_shared>> -> memref<8x64xf32, #tpu.memory_space<vmem_shared>>
        %dma_wait3A_31 = arith.constant 0 : i32
        %dma_wait3A_32 = arith.constant 0 : i32
        %dma_wait3A_33 = tpu.memref_slice %arg5[%dma_wait3A_31, %dma_wait3A_32] : memref<624x64xf32, #tpu.memory_space<hbm>> -> memref<8x64xf32, #tpu.memory_space<hbm>>
        tpu.wait_dma2 semaphore(%run_scoped3A : memref<!tpu.dma_semaphore, #tpu.memory_space<semaphore_mem>>) src(%dma_wait3A_33 : memref<8x64xf32, #tpu.memory_space<hbm>>) dst(%dma_wait3A_30 : memref<8x64xf32, #tpu.memory_space<vmem_shared>>)
        tpu.yield
      }) : () -> ()
    } else {
    }
    %barrier3A = arith.constant 0 : index
    tpu.barrier barrier_id(%barrier3A)
    %scan3A = arith.constant 0 : i32
    %scan3A_9 = arith.constant 0 : i32
    %scan3A_10 = arith.constant 80 : i32
    %scan3A_11 = arith.addi %scan3A_9, %scan3A_10 : i32
    %scan3A_12 = arith.constant 1 : i32
    scf.for %scan3A_24 = %scan3A_9 to %scan3A_11 step %scan3A_12  : i32 {
      %dma_start3A = arith.constant 0 : i32
      %dma_start3A_25 = tpu.memref_slice %arg7[%scan3A_24, %dma_start3A] : memref<80x128xi32, #tpu.memory_space<vmem>> -> memref<1x128xi32, #tpu.memory_space<vmem>>
      %dma_start3A_26 = tpu.memref_squeeze %dma_start3A_25 : memref<1x128xi32, #tpu.memory_space<vmem>> -> memref<128xi32, #tpu.memory_space<vmem>>
      %dma_start3A_27 = arith.constant 0 : i32
      %dma_start3A_28 = arith.constant 0 : i32
      %dma_start3A_29 = tpu.memref_slice %arg2[%dma_start3A_27, %dma_start3A_28] : memref<10000x64xf32, #tpu.memory_space<hbm>> -> memref<10000x64xf32, #tpu.memory_space<hbm>>
      tpu.enqueue_indirect_dma source(%dma_start3A_29 : memref<10000x64xf32, #tpu.memory_space<hbm>>) target(%arg9 : memref<128x64xf32, #tpu.memory_space<vmem>>) offsets(%dma_start3A_26 : memref<128xi32, #tpu.memory_space<vmem>>) semaphore(%arg11 : memref<!tpu.dma_semaphore, #tpu.memory_space<semaphore_mem>>)
      %dma_wait3A = arith.constant 0 : i32
      %dma_wait3A_30 = tpu.memref_slice %arg7[%scan3A_24, %dma_wait3A] : memref<80x128xi32, #tpu.memory_space<vmem>> -> memref<1x128xi32, #tpu.memory_space<vmem>>
      %dma_wait3A_31 = tpu.memref_squeeze %dma_wait3A_30 : memref<1x128xi32, #tpu.memory_space<vmem>> -> memref<128xi32, #tpu.memory_space<vmem>>
      %dma_wait3A_32 = arith.constant 0 : i32
      %dma_wait3A_33 = arith.constant 0 : i32
      %dma_wait3A_34 = tpu.memref_slice %arg2[%dma_wait3A_32, %dma_wait3A_33] : memref<10000x64xf32, #tpu.memory_space<hbm>> -> memref<10000x64xf32, #tpu.memory_space<hbm>>
      tpu.wait_indirect_dma semaphore(%arg11 : memref<!tpu.dma_semaphore, #tpu.memory_space<semaphore_mem>>) src(%dma_wait3A_34 : memref<10000x64xf32, #tpu.memory_space<hbm>>) dst(%arg9 : memref<128x64xf32, #tpu.memory_space<vmem>>)
      "tpu.region"() ({
        %run_scoped3A = tpu.sem_alloc : memref<!tpu.dma_semaphore, #tpu.memory_space<semaphore_mem>>
        %dma_start3A_35 = arith.constant 0 : i32
        %dma_start3A_36 = tpu.memref_slice %arg8[%scan3A_24, %dma_start3A_35] : memref<80x128xi32, #tpu.memory_space<vmem>> -> memref<1x128xi32, #tpu.memory_space<vmem>>
        %dma_start3A_37 = tpu.memref_squeeze %dma_start3A_36 : memref<1x128xi32, #tpu.memory_space<vmem>> -> memref<128xi32, #tpu.memory_space<vmem>>
        %dma_start3A_38 = arith.constant 0 : i32
        %dma_start3A_39 = arith.constant 0 : i32
        %dma_start3A_40 = tpu.memref_slice %arg10[%dma_start3A_38, %dma_start3A_39] : memref<10008x64xf32, #tpu.memory_space<vmem_shared>> -> memref<10008x64xf32, #tpu.memory_space<vmem_shared>>
        tpu.enqueue_indirect_dma source(%arg9 : memref<128x64xf32, #tpu.memory_space<vmem>>) target(%dma_start3A_40 : memref<10008x64xf32, #tpu.memory_space<vmem_shared>>) offsets(%dma_start3A_37 : memref<128xi32, #tpu.memory_space<vmem>>) semaphore(%run_scoped3A : memref<!tpu.dma_semaphore, #tpu.memory_space<semaphore_mem>>) {add = true}
        %dma_wait3A_41 = arith.constant 0 : i32
        %dma_wait3A_42 = tpu.memref_slice %arg8[%scan3A_24, %dma_wait3A_41] : memref<80x128xi32, #tpu.memory_space<vmem>> -> memref<1x128xi32, #tpu.memory_space<vmem>>
        %dma_wait3A_43 = tpu.memref_squeeze %dma_wait3A_42 : memref<1x128xi32, #tpu.memory_space<vmem>> -> memref<128xi32, #tpu.memory_space<vmem>>
        %dma_wait3A_44 = arith.constant 0 : i32
        %dma_wait3A_45 = arith.constant 0 : i32
        %dma_wait3A_46 = tpu.memref_slice %arg10[%dma_wait3A_44, %dma_wait3A_45] : memref<10008x64xf32, #tpu.memory_space<vmem_shared>> -> memref<10008x64xf32, #tpu.memory_space<vmem_shared>>
        tpu.wait_indirect_dma semaphore(%run_scoped3A : memref<!tpu.dma_semaphore, #tpu.memory_space<semaphore_mem>>) src(%arg9 : memref<128x64xf32, #tpu.memory_space<vmem>>) dst(%dma_wait3A_46 : memref<10008x64xf32, #tpu.memory_space<vmem_shared>>)
        tpu.yield
      }) : () -> ()
    }
    %scan3A_13 = arith.constant 80 : i32
    %barrier3A_14 = arith.constant 0 : index
    tpu.barrier barrier_id(%barrier3A_14)
    %mul3A_15 = arith.constant 624 : i32
    %mul3A_16 = arith.muli %arg1, %mul3A_15 : i32
    %mul3A_17 = arith.constant 624 : i32
    %mul3A_18 = arith.muli %arg1, %mul3A_17 : i32
    "tpu.region"() ({
      %run_scoped3A = tpu.sem_alloc : memref<!tpu.dma_semaphore, #tpu.memory_space<semaphore_mem>>
      %dma_start3A = arith.constant 0 : i32
      %dma_start3A_24 = tpu.memref_slice %arg6[%arg0, %mul3A_18, %dma_start3A] : memref<2x10000x64xf32, #tpu.memory_space<hbm>> -> memref<1x624x64xf32, #tpu.memory_space<hbm>>
      %dma_start3A_25 = tpu.memref_squeeze %dma_start3A_24 : memref<1x624x64xf32, #tpu.memory_space<hbm>> -> memref<624x64xf32, #tpu.memory_space<hbm>>
      %dma_start3A_26 = arith.constant 0 : i32
      %dma_start3A_27 = tpu.memref_slice %arg10[%mul3A_16, %dma_start3A_26] : memref<10008x64xf32, #tpu.memory_space<vmem_shared>> -> memref<624x64xf32, #tpu.memory_space<vmem_shared>>
      tpu.enqueue_dma source(%dma_start3A_27 : memref<624x64xf32, #tpu.memory_space<vmem_shared>>) target(%dma_start3A_25 : memref<624x64xf32, #tpu.memory_space<hbm>>) target_semaphore(%run_scoped3A : memref<!tpu.dma_semaphore, #tpu.memory_space<semaphore_mem>>)
      %dma_wait3A = arith.constant 0 : i32
      %dma_wait3A_28 = tpu.memref_slice %arg6[%arg0, %mul3A_18, %dma_wait3A] : memref<2x10000x64xf32, #tpu.memory_space<hbm>> -> memref<1x624x64xf32, #tpu.memory_space<hbm>>
      %dma_wait3A_29 = tpu.memref_squeeze %dma_wait3A_28 : memref<1x624x64xf32, #tpu.memory_space<hbm>> -> memref<624x64xf32, #tpu.memory_space<hbm>>
      %dma_wait3A_30 = arith.constant 0 : i32
      %dma_wait3A_31 = tpu.memref_slice %arg10[%mul3A_16, %dma_wait3A_30] : memref<10008x64xf32, #tpu.memory_space<vmem_shared>> -> memref<624x64xf32, #tpu.memory_space<vmem_shared>>
      tpu.wait_dma2 semaphore(%run_scoped3A : memref<!tpu.dma_semaphore, #tpu.memory_space<semaphore_mem>>) src(%dma_wait3A_31 : memref<624x64xf32, #tpu.memory_space<vmem_shared>>) dst(%dma_wait3A_29 : memref<624x64xf32, #tpu.memory_space<hbm>>)
      tpu.yield
    }) : () -> ()
    %eq3A_19 = arith.constant 15 : i32
    %eq3A_20 = arith.cmpi eq, %arg1, %eq3A_19 : i32
    %convert_element_type3A_21 = arith.extui %eq3A_20 : i1 to i32
    %cond3A_22 = arith.constant 0 : i32
    %cond3A_23 = arith.cmpi ne, %convert_element_type3A_21, %cond3A_22 : i32
    scf.if %cond3A_23 {
      "tpu.region"() ({
        %run_scoped3A = tpu.sem_alloc : memref<!tpu.dma_semaphore, #tpu.memory_space<semaphore_mem>>
        %dma_start3A = arith.constant 9984 : i32
        %dma_start3A_24 = arith.constant 0 : i32
        %dma_start3A_25 = tpu.memref_slice %arg6[%arg0, %dma_start3A, %dma_start3A_24] : memref<2x10000x64xf32, #tpu.memory_space<hbm>> -> memref<1x16x64xf32, #tpu.memory_space<hbm>>
        %dma_start3A_26 = tpu.memref_squeeze %dma_start3A_25 : memref<1x16x64xf32, #tpu.memory_space<hbm>> -> memref<16x64xf32, #tpu.memory_space<hbm>>
        %dma_start3A_27 = arith.constant 9984 : i32
        %dma_start3A_28 = arith.constant 0 : i32
        %dma_start3A_29 = tpu.memref_slice %arg10[%dma_start3A_27, %dma_start3A_28] : memref<10008x64xf32, #tpu.memory_space<vmem_shared>> -> memref<16x64xf32, #tpu.memory_space<vmem_shared>>
        tpu.enqueue_dma source(%dma_start3A_29 : memref<16x64xf32, #tpu.memory_space<vmem_shared>>) target(%dma_start3A_26 : memref<16x64xf32, #tpu.memory_space<hbm>>) target_semaphore(%run_scoped3A : memref<!tpu.dma_semaphore, #tpu.memory_space<semaphore_mem>>)
        %dma_wait3A = arith.constant 9984 : i32
        %dma_wait3A_30 = arith.constant 0 : i32
        %dma_wait3A_31 = tpu.memref_slice %arg6[%arg0, %dma_wait3A, %dma_wait3A_30] : memref<2x10000x64xf32, #tpu.memory_space<hbm>> -> memref<1x16x64xf32, #tpu.memory_space<hbm>>
        %dma_wait3A_32 = tpu.memref_squeeze %dma_wait3A_31 : memref<1x16x64xf32, #tpu.memory_space<hbm>> -> memref<16x64xf32, #tpu.memory_space<hbm>>
        %dma_wait3A_33 = arith.constant 9984 : i32
        %dma_wait3A_34 = arith.constant 0 : i32
        %dma_wait3A_35 = tpu.memref_slice %arg10[%dma_wait3A_33, %dma_wait3A_34] : memref<10008x64xf32, #tpu.memory_space<vmem_shared>> -> memref<16x64xf32, #tpu.memory_space<vmem_shared>>
        tpu.wait_dma2 semaphore(%run_scoped3A : memref<!tpu.dma_semaphore, #tpu.memory_space<semaphore_mem>>) src(%dma_wait3A_35 : memref<16x64xf32, #tpu.memory_space<vmem_shared>>) dst(%dma_wait3A_32 : memref<16x64xf32, #tpu.memory_space<hbm>>)
        tpu.yield
      }) : () -> ()
    } else {
    }
    return
  }
}

module attributes {stable_mosaic.version = 14 : i64} {
  func.func @_tc1_body(%arg0: memref<10000x16xf32, #tpu.memory_space<vmem>>, %arg1: memref<10000x16xf32, #tpu.memory_space<vmem>>, %arg2: memref<10000x128xf32, #tpu.memory_space<vmem>>, %arg3: memref<128x64xf32, #tpu.memory_space<vmem>>, %arg4: memref<10000x1xf32, #tpu.memory_space<vmem>>, %arg5: memref<10000x64xf32, #tpu.memory_space<vmem>>) attributes {dimension_semantics = [], scalar_prefetch = 0 : i64, scratch_operands = 0 : i64, tpu.core_type = #tpu.core_type<tc>} {
    %get3A = arith.constant 0 : index
    %get3A_0 = arith.constant 0 : index
    %get3A_1 = vector.load %arg0[%get3A, %get3A_0] : memref<10000x16xf32, #tpu.memory_space<vmem>>, vector<10000x1xf32>
    %get3A_2 = arith.constant 0 : index
    %get3A_3 = arith.constant 0 : index
    %get3A_4 = vector.load %arg1[%get3A_2, %get3A_3] : memref<10000x16xf32, #tpu.memory_space<vmem>>, vector<10000x1xf32>
    %add3A = arith.addf %get3A_1, %get3A_4 : vector<10000x1xf32>
    %add3A_5 = arith.constant 1.000000e+00 : f32
    %add3A_6 = vector.broadcast %add3A_5 : f32 to vector<10000x1xf32>
    %add3A_7 = arith.addf %add3A, %add3A_6 : vector<10000x1xf32>
    %rsqrt3A = math.rsqrt %add3A_7 : vector<10000x1xf32>
    %swap3A = arith.constant 0 : index
    %swap3A_8 = arith.constant 0 : index
    %swap3A_9 = vector.load %arg4[%swap3A, %swap3A_8] : memref<10000x1xf32, #tpu.memory_space<vmem>>, vector<10000x1xf32>
    tpu.vector_store %arg4[%swap3A, %swap3A_8], %rsqrt3A {strides = array<i32>} : memref<10000x1xf32, #tpu.memory_space<vmem>>, vector<10000x1xf32>,
    %get3A_10 = arith.constant 0 : index
    %get3A_11 = arith.constant 0 : index
    %get3A_12 = vector.load %arg2[%get3A_10, %get3A_11] : memref<10000x128xf32, #tpu.memory_space<vmem>>, vector<10000x128xf32>
    %get3A_13 = arith.constant 0 : index
    %get3A_14 = arith.constant 0 : index
    %get3A_15 = vector.load %arg3[%get3A_13, %get3A_14] : memref<128x64xf32, #tpu.memory_space<vmem>>, vector<128x64xf32>
    %dot_general3A = arith.constant dense<0.000000e+00> : vector<10000x64xf32>
    %dot_general3A_16 = tpu.matmul %get3A_12, %get3A_15, %dot_general3A {dimension_numbers = #tpu.dot_dimension_numbers<[1], [0], [0], [1], [0, 0, 1, 1], [], []>, transpose_lhs_hint = false} : vector<10000x128xf32>, vector<128x64xf32>, vector<10000x64xf32> -> vector<10000x64xf32>
    %mul3A = vector.broadcast %rsqrt3A : vector<10000x1xf32> to vector<10000x64xf32>
    %mul3A_17 = arith.mulf %dot_general3A_16, %mul3A : vector<10000x64xf32>
    %swap3A_18 = arith.constant 0 : index
    %swap3A_19 = arith.constant 0 : index
    %swap3A_20 = vector.load %arg5[%swap3A_18, %swap3A_19] : memref<10000x64xf32, #tpu.memory_space<vmem>>, vector<10000x64xf32>
    tpu.vector_store %arg5[%swap3A_18, %swap3A_19], %mul3A_17 {strides = array<i32>} : memref<10000x64xf32, #tpu.memory_space<vmem>>, vector<10000x64xf32>,
    return
  }
}

module attributes {stable_mosaic.version = 14 : i64} {
  func.func @_tc2_body(%arg0: memref<10000x64xf32, #tpu.memory_space<vmem>>, %arg1: memref<10000x64xf32, #tpu.memory_space<vmem>>, %arg2: memref<10000x64xf32, #tpu.memory_space<vmem>>, %arg3: memref<10000x1xf32, #tpu.memory_space<vmem>>, %arg4: memref<1x64xf32, #tpu.memory_space<vmem>>, %arg5: memref<64x32xf32, #tpu.memory_space<vmem>>, %arg6: memref<10000x32xf32, #tpu.memory_space<vmem>>) attributes {dimension_semantics = [], scalar_prefetch = 0 : i64, scratch_operands = 0 : i64, tpu.core_type = #tpu.core_type<tc>} {
    %get3A = arith.constant 0 : index
    %get3A_0 = arith.constant 0 : index
    %get3A_1 = vector.load %arg3[%get3A, %get3A_0] : memref<10000x1xf32, #tpu.memory_space<vmem>>, vector<10000x1xf32>
    %get3A_2 = arith.constant 0 : index
    %get3A_3 = arith.constant 0 : index
    %get3A_4 = vector.load %arg0[%get3A_2, %get3A_3] : memref<10000x64xf32, #tpu.memory_space<vmem>>, vector<10000x64xf32>
    %get3A_5 = arith.constant 0 : index
    %get3A_6 = arith.constant 0 : index
    %get3A_7 = vector.load %arg1[%get3A_5, %get3A_6] : memref<10000x64xf32, #tpu.memory_space<vmem>>, vector<10000x64xf32>
    %add3A = arith.addf %get3A_4, %get3A_7 : vector<10000x64xf32>
    %get3A_8 = arith.constant 0 : index
    %get3A_9 = arith.constant 0 : index
    %get3A_10 = vector.load %arg2[%get3A_8, %get3A_9] : memref<10000x64xf32, #tpu.memory_space<vmem>>, vector<10000x64xf32>
    %add3A_11 = arith.addf %add3A, %get3A_10 : vector<10000x64xf32>
    %mul3A = vector.broadcast %get3A_1 : vector<10000x1xf32> to vector<10000x64xf32>
    %mul3A_12 = arith.mulf %add3A_11, %mul3A : vector<10000x64xf32>
    %get3A_13 = arith.constant 0 : index
    %get3A_14 = arith.constant 0 : index
    %get3A_15 = vector.load %arg4[%get3A_13, %get3A_14] : memref<1x64xf32, #tpu.memory_space<vmem>>, vector<1x64xf32>
    %add3A_16 = vector.broadcast %get3A_15 : vector<1x64xf32> to vector<10000x64xf32>
    %add3A_17 = arith.addf %mul3A_12, %add3A_16 : vector<10000x64xf32>
    %max3A = arith.constant 0.000000e+00 : f32
    %max3A_18 = vector.broadcast %max3A : f32 to vector<10000x64xf32>
    %max3A_19 = arith.maximumf %add3A_17, %max3A_18 : vector<10000x64xf32>
    %get3A_20 = arith.constant 0 : index
    %get3A_21 = arith.constant 0 : index
    %get3A_22 = vector.load %arg5[%get3A_20, %get3A_21] : memref<64x32xf32, #tpu.memory_space<vmem>>, vector<64x32xf32>
    %dot_general3A = arith.constant dense<0.000000e+00> : vector<10000x32xf32>
    %dot_general3A_23 = tpu.matmul %max3A_19, %get3A_22, %dot_general3A {dimension_numbers = #tpu.dot_dimension_numbers<[1], [0], [0], [1], [0, 0, 1, 1], [], []>, transpose_lhs_hint = false} : vector<10000x64xf32>, vector<64x32xf32>, vector<10000x32xf32> -> vector<10000x32xf32>
    %mul3A_24 = vector.broadcast %get3A_1 : vector<10000x1xf32> to vector<10000x32xf32>
    %mul3A_25 = arith.mulf %dot_general3A_23, %mul3A_24 : vector<10000x32xf32>
    %swap3A = arith.constant 0 : index
    %swap3A_26 = arith.constant 0 : index
    %swap3A_27 = vector.load %arg6[%swap3A, %swap3A_26] : memref<10000x32xf32, #tpu.memory_space<vmem>>, vector<10000x32xf32>
    tpu.vector_store %arg6[%swap3A, %swap3A_26], %mul3A_25 {strides = array<i32>} : memref<10000x32xf32, #tpu.memory_space<vmem>>, vector<10000x32xf32>,
    return
  }
}

module attributes {stable_mosaic.version = 14 : i64} {
  func.func @_tc4_body(%arg0: memref<4096x20xf32, #tpu.memory_space<vmem>>, %arg1: memref<20x32xf32, #tpu.memory_space<vmem>>, %arg2: memref<32x256xf32, #tpu.memory_space<vmem>>, %arg3: memref<1x256xf32, #tpu.memory_space<vmem>>, %arg4: memref<256x2000xf32, #tpu.memory_space<vmem>>, %arg5: memref<1x2000xf32, #tpu.memory_space<vmem>>, %arg6: memref<4096x20xf32, #tpu.memory_space<vmem>>, %arg7: memref<20x2000xf32, #tpu.memory_space<vmem>>) attributes {dimension_semantics = [], scalar_prefetch = 0 : i64, scratch_operands = 0 : i64, tpu.core_type = #tpu.core_type<tc>} {
    %get3A = arith.constant 0 : index
    %get3A_0 = arith.constant 0 : index
    %get3A_1 = vector.load %arg0[%get3A, %get3A_0] : memref<4096x20xf32, #tpu.memory_space<vmem>>, vector<4096x20xf32>
    %reduce_max3A = arith.constant dense<0xFF800000> : vector<4096xf32>
    %reduce_max3A_2 = vector.multi_reduction <maximumf>, %get3A_1, %reduce_max3A [1] : vector<4096x20xf32> to vector<4096xf32>
    %broadcast_in_dim3A = vector.shape_cast %reduce_max3A_2 : vector<4096xf32> to vector<4096x1xf32>
    %sub3A = vector.broadcast %broadcast_in_dim3A : vector<4096x1xf32> to vector<4096x20xf32>
    %sub3A_3 = arith.subf %get3A_1, %sub3A : vector<4096x20xf32>
    %exp3A = math.exp %sub3A_3 : vector<4096x20xf32>
    %reduce_sum3A = arith.constant dense<0.000000e+00> : vector<4096xf32>
    %reduce_sum3A_4 = vector.multi_reduction <add>, %exp3A, %reduce_sum3A [1] : vector<4096x20xf32> to vector<4096xf32>
    %broadcast_in_dim3A_5 = vector.shape_cast %reduce_sum3A_4 : vector<4096xf32> to vector<4096x1xf32>
    %div3A = vector.broadcast %broadcast_in_dim3A_5 : vector<4096x1xf32> to vector<4096x20xf32>
    %div3A_6 = arith.divf %exp3A, %div3A : vector<4096x20xf32>
    %swap3A = arith.constant 0 : index
    %swap3A_7 = arith.constant 0 : index
    %swap3A_8 = vector.load %arg6[%swap3A, %swap3A_7] : memref<4096x20xf32, #tpu.memory_space<vmem>>, vector<4096x20xf32>
    tpu.vector_store %arg6[%swap3A, %swap3A_7], %div3A_6 {strides = array<i32>} : memref<4096x20xf32, #tpu.memory_space<vmem>>, vector<4096x20xf32>,
    %reduce_sum3A_9 = arith.constant dense<0.000000e+00> : vector<20xf32>
    %reduce_sum3A_10 = vector.multi_reduction <add>, %div3A_6, %reduce_sum3A_9 [0] : vector<4096x20xf32> to vector<20xf32>
    %broadcast_in_dim3A_11 = vector.shape_cast %reduce_sum3A_10 : vector<20xf32> to vector<1x20xf32>
    %iota3A = tpu.iota {dimensions = array<i32: 0>} : vector<20x20xi32>
    %iota3A_12 = tpu.iota {dimensions = array<i32: 1>} : vector<20x20xi32>
    %eq3A = arith.cmpi eq, %iota3A, %iota3A_12 : vector<20x20xi32>
    %jit3A = arith.constant 0.000000e+00 : f32
    %broadcast_in_dim3A_13 = vector.shape_cast %broadcast_in_dim3A_11 : vector<1x20xf32> to vector<1x20xf32>
    %broadcast_in_dim3A_14 = vector.broadcast %broadcast_in_dim3A_13 : vector<1x20xf32> to vector<20x20xf32>
    %broadcast_in_dim3A_15 = vector.broadcast %jit3A : f32 to vector<20x20xf32>
    %select_n3A = arith.select %eq3A, %broadcast_in_dim3A_14, %broadcast_in_dim3A_15 : vector<20x20xi1>, vector<20x20xf32>
    %get3A_16 = arith.constant 0 : index
    %get3A_17 = arith.constant 0 : index
    %get3A_18 = vector.load %arg1[%get3A_16, %get3A_17] : memref<20x32xf32, #tpu.memory_space<vmem>>, vector<20x32xf32>
    %get3A_19 = arith.constant 0 : index
    %get3A_20 = arith.constant 0 : index
    %get3A_21 = vector.load %arg2[%get3A_19, %get3A_20] : memref<32x256xf32, #tpu.memory_space<vmem>>, vector<32x256xf32>
    %dot_general3A = arith.constant dense<0.000000e+00> : vector<20x256xf32>
    %dot_general3A_22 = tpu.matmul %get3A_18, %get3A_21, %dot_general3A {dimension_numbers = #tpu.dot_dimension_numbers<[1], [0], [0], [1], [0, 0, 1, 1], [], []>, transpose_lhs_hint = false} : vector<20x32xf32>, vector<32x256xf32>, vector<20x256xf32> -> vector<20x256xf32>
    %get3A_23 = arith.constant 0 : index
    %get3A_24 = arith.constant 0 : index
    %get3A_25 = vector.load %arg3[%get3A_23, %get3A_24] : memref<1x256xf32, #tpu.memory_space<vmem>>, vector<1x256xf32>
    %add3A = vector.broadcast %get3A_25 : vector<1x256xf32> to vector<20x256xf32>
    %add3A_26 = arith.addf %dot_general3A_22, %add3A : vector<20x256xf32>
    %max3A = arith.constant 0.000000e+00 : f32
    %max3A_27 = vector.broadcast %max3A : f32 to vector<20x256xf32>
    %max3A_28 = arith.maximumf %add3A_26, %max3A_27 : vector<20x256xf32>
    %get3A_29 = arith.constant 0 : index
    %get3A_30 = arith.constant 0 : index
    %get3A_31 = vector.load %arg4[%get3A_29, %get3A_30] : memref<256x2000xf32, #tpu.memory_space<vmem>>, vector<256x2000xf32>
    %dot_general3A_32 = arith.constant dense<0.000000e+00> : vector<20x2000xf32>
    %dot_general3A_33 = tpu.matmul %max3A_28, %get3A_31, %dot_general3A_32 {dimension_numbers = #tpu.dot_dimension_numbers<[1], [0], [0], [1], [0, 0, 1, 1], [], []>, transpose_lhs_hint = false} : vector<20x256xf32>, vector<256x2000xf32>, vector<20x2000xf32> -> vector<20x2000xf32>
    %get3A_34 = arith.constant 0 : index
    %get3A_35 = arith.constant 0 : index
    %get3A_36 = vector.load %arg5[%get3A_34, %get3A_35] : memref<1x2000xf32, #tpu.memory_space<vmem>>, vector<1x2000xf32>
    %add3A_37 = vector.broadcast %get3A_36 : vector<1x2000xf32> to vector<20x2000xf32>
    %add3A_38 = arith.addf %dot_general3A_33, %add3A_37 : vector<20x2000xf32>
    %dot_general3A_39 = arith.constant dense<0.000000e+00> : vector<20x2000xf32>
    %dot_general3A_40 = tpu.matmul %select_n3A, %add3A_38, %dot_general3A_39 {dimension_numbers = #tpu.dot_dimension_numbers<[1], [0], [0], [1], [0, 0, 1, 1], [], []>, transpose_lhs_hint = false} : vector<20x20xf32>, vector<20x2000xf32>, vector<20x2000xf32> -> vector<20x2000xf32>
    %swap3A_41 = arith.constant 0 : index
    %swap3A_42 = arith.constant 0 : index
    %swap3A_43 = vector.load %arg7[%swap3A_41, %swap3A_42] : memref<20x2000xf32, #tpu.memory_space<vmem>>, vector<20x2000xf32>
    tpu.vector_store %arg7[%swap3A_41, %swap3A_42], %dot_general3A_40 {strides = array<i32>} : memref<20x2000xf32, #tpu.memory_space<vmem>>, vector<20x2000xf32>,
    return
  }
}

module attributes {stable_mosaic.version = 14 : i64} {
  func.func @_tc3_body(%arg0: i32, %arg1: memref<400x4096xf32, #tpu.memory_space<vmem>>, %arg2: memref<400x32xf32, #tpu.memory_space<vmem>>, %arg3: memref<400x32xf32, #tpu.memory_space<vmem>>, %arg4: memref<400x32xf32, #tpu.memory_space<vmem>>, %arg5: memref<400x1xf32, #tpu.memory_space<vmem>>, %arg6: memref<1x32xf32, #tpu.memory_space<vmem>>, %arg7: memref<400x4096xf32, #tpu.memory_space<vmem>>, %arg8: memref<400x32xf32, #tpu.memory_space<vmem>>) attributes {dimension_semantics = [#tpu.dimension_semantics<arbitrary>], iteration_bounds = array<i64: 25>, scalar_prefetch = 0 : i64, scratch_operands = 0 : i64, tpu.core_type = #tpu.core_type<tc>, window_params = [{transform_indices = @transform_0, window_bounds = array<i64: 400, 4096>}, {transform_indices = @transform_1, window_bounds = array<i64: 400, 32>}, {transform_indices = @transform_2, window_bounds = array<i64: 400, 32>}, {transform_indices = @transform_3, window_bounds = array<i64: 400, 32>}, {transform_indices = @transform_4, window_bounds = array<i64: 400, 1>}, {pipeline_mode = #tpu.pipeline_mode<synchronous>, transform_indices = @transform_5, window_bounds = array<i64: 1, 32>}, {transform_indices = @transform_6, window_bounds = array<i64: 400, 4096>}, {transform_indices = @transform_7, window_bounds = array<i64: 400, 32>}]} {
    %get3A = arith.constant 0 : index
    %get3A_0 = arith.constant 0 : index
    %get3A_1 = vector.load %arg1[%get3A, %get3A_0] : memref<400x4096xf32, #tpu.memory_space<vmem>>, vector<400x4096xf32>
    %reduce_max3A = arith.constant dense<0xFF800000> : vector<400xf32>
    %reduce_max3A_2 = vector.multi_reduction <maximumf>, %get3A_1, %reduce_max3A [1] : vector<400x4096xf32> to vector<400xf32>
    %broadcast_in_dim3A = vector.shape_cast %reduce_max3A_2 : vector<400xf32> to vector<400x1xf32>
    %sub3A = vector.broadcast %broadcast_in_dim3A : vector<400x1xf32> to vector<400x4096xf32>
    %sub3A_3 = arith.subf %get3A_1, %sub3A : vector<400x4096xf32>
    %exp3A = math.exp %sub3A_3 : vector<400x4096xf32>
    %reduce_sum3A = arith.constant dense<0.000000e+00> : vector<400xf32>
    %reduce_sum3A_4 = vector.multi_reduction <add>, %exp3A, %reduce_sum3A [1] : vector<400x4096xf32> to vector<400xf32>
    %broadcast_in_dim3A_5 = vector.shape_cast %reduce_sum3A_4 : vector<400xf32> to vector<400x1xf32>
    %div3A = vector.broadcast %broadcast_in_dim3A_5 : vector<400x1xf32> to vector<400x4096xf32>
    %div3A_6 = arith.divf %exp3A, %div3A : vector<400x4096xf32>
    %swap3A = arith.constant 0 : index
    %swap3A_7 = arith.constant 0 : index
    %swap3A_8 = vector.load %arg7[%swap3A, %swap3A_7] : memref<400x4096xf32, #tpu.memory_space<vmem>>, vector<400x4096xf32>
    tpu.vector_store %arg7[%swap3A, %swap3A_7], %div3A_6 {strides = array<i32>} : memref<400x4096xf32, #tpu.memory_space<vmem>>, vector<400x4096xf32>,
    %get3A_9 = arith.constant 0 : index
    %get3A_10 = arith.constant 0 : index
    %get3A_11 = vector.load %arg2[%get3A_9, %get3A_10] : memref<400x32xf32, #tpu.memory_space<vmem>>, vector<400x32xf32>
    %get3A_12 = arith.constant 0 : index
    %get3A_13 = arith.constant 0 : index
    %get3A_14 = vector.load %arg3[%get3A_12, %get3A_13] : memref<400x32xf32, #tpu.memory_space<vmem>>, vector<400x32xf32>
    %add3A = arith.addf %get3A_11, %get3A_14 : vector<400x32xf32>
    %get3A_15 = arith.constant 0 : index
    %get3A_16 = arith.constant 0 : index
    %get3A_17 = vector.load %arg4[%get3A_15, %get3A_16] : memref<400x32xf32, #tpu.memory_space<vmem>>, vector<400x32xf32>
    %add3A_18 = arith.addf %add3A, %get3A_17 : vector<400x32xf32>
    %get3A_19 = arith.constant 0 : index
    %get3A_20 = arith.constant 0 : index
    %get3A_21 = vector.load %arg5[%get3A_19, %get3A_20] : memref<400x1xf32, #tpu.memory_space<vmem>>, vector<400x1xf32>
    %mul3A = vector.broadcast %get3A_21 : vector<400x1xf32> to vector<400x32xf32>
    %mul3A_22 = arith.mulf %add3A_18, %mul3A : vector<400x32xf32>
    %get3A_23 = arith.constant 0 : index
    %get3A_24 = arith.constant 0 : index
    %get3A_25 = vector.load %arg6[%get3A_23, %get3A_24] : memref<1x32xf32, #tpu.memory_space<vmem>>, vector<1x32xf32>
    %add3A_26 = vector.broadcast %get3A_25 : vector<1x32xf32> to vector<400x32xf32>
    %add3A_27 = arith.addf %mul3A_22, %add3A_26 : vector<400x32xf32>
    %swap3A_28 = arith.constant 0 : index
    %swap3A_29 = arith.constant 0 : index
    %swap3A_30 = vector.load %arg8[%swap3A_28, %swap3A_29] : memref<400x32xf32, #tpu.memory_space<vmem>>, vector<400x32xf32>
    tpu.vector_store %arg8[%swap3A_28, %swap3A_29], %add3A_27 {strides = array<i32>} : memref<400x32xf32, #tpu.memory_space<vmem>>, vector<400x32xf32>,
    return
  }
  func.func @transform_0(%arg0: i32) -> (i32, i32) {
    %c0_i32 = arith.constant 0 : i32
    %c0_i32_0 = arith.constant 0 : i32
    return %arg0, %c0_i32 : i32, i32
  }
  func.func @transform_1(%arg0: i32) -> (i32, i32) {
    %c0_i32 = arith.constant 0 : i32
    %c0_i32_0 = arith.constant 0 : i32
    return %arg0, %c0_i32 : i32, i32
  }
  func.func @transform_2(%arg0: i32) -> (i32, i32) {
    %c0_i32 = arith.constant 0 : i32
    %c0_i32_0 = arith.constant 0 : i32
    return %arg0, %c0_i32 : i32, i32
  }
  func.func @transform_3(%arg0: i32) -> (i32, i32) {
    %c0_i32 = arith.constant 0 : i32
    %c0_i32_0 = arith.constant 0 : i32
    return %arg0, %c0_i32 : i32, i32
  }
  func.func @transform_4(%arg0: i32) -> (i32, i32) {
    %c0_i32 = arith.constant 0 : i32
    %c0_i32_0 = arith.constant 0 : i32
    return %arg0, %c0_i32 : i32, i32
  }
  func.func @transform_5(%arg0: i32) -> (i32, i32) {
    %c0_i32 = arith.constant 0 : i32
    %c0_i32_0 = arith.constant 0 : i32
    %c0_i32_1 = arith.constant 0 : i32
    return %c0_i32, %c0_i32_0 : i32, i32
  }
  func.func @transform_6(%arg0: i32) -> (i32, i32) {
    %c0_i32 = arith.constant 0 : i32
    %c0_i32_0 = arith.constant 0 : i32
    return %arg0, %c0_i32 : i32, i32
  }
  func.func @transform_7(%arg0: i32) -> (i32, i32) {
    %c0_i32 = arith.constant 0 : i32
    %c0_i32_0 = arith.constant 0 : i32
    return %arg0, %c0_i32 : i32, i32
  }
}

</mosaic_0001>

<sc_bundles>
// kernel: kernel.12.cloned.1.call-start
scs
__scs_entry_jumppad:
0x0: {  	(pc) =	sbr.rel $0x88, $3  }
0x1: {  	(tag) =	ssettag $0x0;
	lr =	simm.s32 $0x1  }
0x2: {  	[smem:$0x3F94] =	sst lr;
	_ =	strace $0xD0000000  }
0x3: {  	_ = 	snop  }
0x4: {  	_ = 	snop  }
0x5: {  	_ = 	snop  }
0x6: {  	_ = 	snop  }
0x7: {  	_ = 	snop  }
__scs_overlays_trampoline_lowered:
0x8: {  	[smem:$0x3FA3] =	sst s0  }
0x9: {  	[smem:$0x3FA4] =	sst s1  }
0xa: {  	[smem:$0x3FA5] =	sst s2  }
0xb: {  	[smem:$0x3FA6] =	sst s3  }
0xc: {  	[smem:$0x3FA7] =	sst s4  }
0xd: {  	[smem:$0x3FA8] =	sst s5  }
0xe: {  	[smem:$0x3FA9] =	sst s6  }
0xf: {  	[smem:$0x3FAA] =	sst s7  }
0x10: {  	[smem:$0x3FAB] =	sst s8  }
0x11: {  	[smem:$0x3FAC] =	sst s9;
	s0 =	simm.s32 @!p0 $0x0  }
0x12: {  	s1 =	sld [smem:$0x3F92];
	s0 =	simm.s32 @p0 $0x1  }
0x13: {  	[smem:$0x3FAD] =	sst s0;
	s0 =	simm.s32 @!p1 $0x0  }
0x14: {  	s2 =	sld [smem:$0x3F91];
	s0 =	simm.s32 @p1 $0x1  }
0x15: {  	[smem:$0x3FAE] =	sst s0;
	s0 =	simm.s32 @!p2 $0x0  }
0x16: {  	s3 =	sld [smem:$0x3FDB];
	s0 =	simm.s32 @p2 $0x1  }
0x17: {  	s4 =	simm.s32 $0x1BF5;
	[smem:$0x3FB0] =	sst s0  }
0x18: {  	s0 =	sld [smem:$0x3F93];
	_ =	swait.ge [sflag:s4], $0x0  }
0x19: {  	s7 =	sld [smem:$0x3F94]  }
0x1a: {  	s8 =	sadd.s32 $0xFFFFE003, lr  }
0x1b: {  	s9 =	sadd.s32 $0xFFFFFEF7, lr;
	s5 =	simm.s32 $0xFFFFFFFF;
	p2 =	slt.u32 s8, $0xFFFFF086  }
0x1c: {  	p1 =	slt.u32 s9, $0xF7A;
	s5 =	simm.s32 @!p2 $0x0  }
0x1d: {  	s5 =	simm.s32 @p1 $0x1;
	p0 =	seq.s32 s7, s2  }
0x1e: {  	s7 =	smul.u32 @!p0 $0xF7A, s2;
	p2 =	seq.s32 @!p0 s5, $0x0  }
0x1f: {  	s9 =	smul.u32 $0xF7A, s1;
	s8 =	simm.s32 @!p0 $0x1BF5;
	p2 =	por !p2, p0  }
0x20: {  	[sflag:s8] =	ssyncset.s32 @!p0 $0xFFFFF086;
	s6 =	sadd.s32 @!p0 s3, s7;
	s7 =	simm.s32 @!p0 $0x108  }
0x21: {  	s3 =	sadd.s32 s3, s9;
	s6 =	sadd.s32 @!p0 $0x88, s6;
	s7 =	simm.s32 @p2 $0x1082  }
0x22: {  	[simem:s7], [sflag:s8] =	dma.local @!p0 [hbm:s6], $0xF7A  }
0x23: {  	s9 =	sor.u32 $0xD0000000, s2;
	s6 =	simm.s32 $0x108;
	_ =	swait.ge @!p0 [sflag:s8], $0x0  }
0x24: {  	s3 =	sadd.s32 $0x88, s3;
	s6 =	simm.s32 @!p1 $0x1082;
	[sflag:s4] =	ssyncset.s32 $0xFFFFF086  }
0x25: {  	[simem:s6], [sflag:s4] =	dma.local [hbm:s3], $0xF7A  }
0x26: {  	[smem:$0x3F94] =	sst s1;
	(tag) =	ssettag s2;
	_ =	strace s9  }
0x27: {  	s1 =	sld [smem:$0x3FA4]  }
0x28: {  	s2 =	sld [smem:$0x3FA5]  }
0x29: {  	s4 =	sld [smem:$0x3FA7]  }
0x2a: {  	p0 =	seq.s32 s5, $0x0;
	s5 =	sld [smem:$0x3FA8]  }
0x2b: {  	s6 =	sld [smem:$0x3FA9]  }
0x2c: {  	s7 =	sld [smem:$0x3FAA]  }
0x2d: {  	s3 =	simm.s32 $0x108;
	s8 =	sld [smem:$0x3FAB]  }
0x2e: {  	s3 =	simm.s32 @!p0 $0x1082;
	s9 =	sld [smem:$0x3FAC]  }
0x2f: {  	lr =	sadd.s32 s0, s3;
	s0 =	sld [smem:$0x3FA3]  }
0x30: {  	s3 =	sld [smem:$0x3FA6]  }
0x31: {  	[smem:$0x3FAF] =	sst s10  }
0x32: {  	s10 =	sld [smem:$0x3FAD];
	_ =	sdelay $0x3  }
0x33: {  	p0 =	seq.s32 s10, $0x1;
	s10 =	sld [smem:$0x3FAF];
	_ =	sdelay $0x3  }
0x34: {  	[smem:$0x3FAF] =	sst s10  }
0x35: {  	s10 =	sld [smem:$0x3FAE];
	_ =	sdelay $0x3  }
0x36: {  	p1 =	seq.s32 s10, $0x1;
	s10 =	sld [smem:$0x3FAF];
	_ =	sdelay $0x3  }
0x37: {  	[smem:$0x3FAF] =	sst s10  }
0x38: {  	s10 =	sld [smem:$0x3FB0]  }
0x39: {  	_ = 	snop;
	(pc) =	sbr.ind lr, $3  }
0x3a: {  	_ = 	snop  }
0x3b: {  	_ = 	snop  }
0x3c: {  	p2 =	seq.s32 s10, $0x1;
	s10 =	sld [smem:$0x3FAF]  }
0x3d: {  	_ =	shalt  }
0x3e: {  	_ =	shalt  }
0x3f: {  	_ =	shalt  }
0x40: {  	_ =	shalt  }
0x41: {  	_ =	shalt  }
0x42: {  	_ =	shalt  }
0x43: {  	_ =	shalt  }
0x44: {  	_ =	shalt  }
0x45: {  	_ =	shalt  }
0x46: {  	_ =	shalt  }
0x47: {  	_ =	shalt  }
0x48: {  	_ =	shalt  }
0x49: {  	_ =	shalt  }
0x4a: {  	_ =	shalt  }
0x4b: {  	_ =	shalt  }
0x4c: {  	_ =	shalt  }
0x4d: {  	_ =	shalt  }
0x4e: {  	_ =	shalt  }
0x4f: {  	_ =	shalt  }
0x50: {  	_ =	shalt  }
0x51: {  	_ =	shalt  }
0x52: {  	_ =	shalt  }
0x53: {  	_ =	shalt  }
0x54: {  	_ =	shalt  }
0x55: {  	_ =	shalt  }
0x56: {  	_ =	shalt  }
0x57: {  	_ =	shalt  }
0x58: {  	_ =	shalt  }
0x59: {  	_ =	shalt  }
0x5a: {  	_ =	shalt  }
0x5b: {  	_ =	shalt  }
0x5c: {  	_ =	shalt  }
0x5d: {  	_ =	shalt  }
0x5e: {  	_ =	shalt  }
0x5f: {  	_ =	shalt  }
0x60: {  	_ =	shalt  }
0x61: {  	_ =	shalt  }
0x62: {  	_ =	shalt  }
0x63: {  	_ =	shalt  }
0x64: {  	_ =	shalt  }
0x65: {  	_ =	shalt  }
0x66: {  	_ =	shalt  }
0x67: {  	_ =	shalt  }
0x68: {  	_ =	shalt  }
0x69: {  	_ =	shalt  }
0x6a: {  	_ =	shalt  }
0x6b: {  	_ =	shalt  }
0x6c: {  	_ =	shalt  }
0x6d: {  	_ =	shalt  }
0x6e: {  	_ =	shalt  }
0x6f: {  	_ =	shalt  }
0x70: {  	_ =	shalt  }
0x71: {  	_ =	shalt  }
0x72: {  	_ =	shalt  }
0x73: {  	_ =	shalt  }
0x74: {  	_ =	shalt  }
0x75: {  	_ =	shalt  }
0x76: {  	_ =	shalt  }
0x77: {  	_ =	shalt  }
0x78: {  	_ =	shalt  }
0x79: {  	_ =	shalt  }
0x7a: {  	_ =	shalt  }
0x7b: {  	_ =	shalt  }
0x7c: {  	_ =	shalt  }
0x7d: {  	_ =	shalt  }
0x7e: {  	_ =	shalt  }
0x7f: {  	_ =	shalt  }
0x80: {  	_ =	shalt  }
0x81: {  	_ =	shalt  }
0x82: {  	_ =	shalt  }
0x83: {  	_ =	shalt  }
0x84: {  	_ =	shalt  }
0x85: {  	_ =	shalt  }
0x86: {  	_ =	shalt  }
0x87: {  	_ =	shalt  }
.Lfunc_end0:
.L_simem_size_0:
called_computation.1_lowered:
.L_overlay_start_0:
0x88: {  	s2 =	sld [smem:$0x3FD9]  }
0x89: {  	s3 =	sld [smem:$0x3FFE];
	_ =	sdelay $0x1  }
0x8a: {  	s1 =	srdreg.scid  }
0x8b: {  	s0 =	sand.u32 $0x1, s1  }
0x8c: {  	s14 =	sshll.u32 s0, $0xA;
	s2 =	sadd.s32 s3, s2  }
0x8d: {  	s2 =	sadd.s32 s2, s14  }
0x8e: {  	[smem:$0x3FBB] =	sst s2  }
0x8f: {  	_ = 	snop  }
0x90: {  	s2 =	sld [smem:$0x3FD0];
	_ =	sdelay $0x2  }
0x91: {  	s15 =	simm.s32 $0xA;
	s4 =	simm.s32 $0x10  }
0x92: {  	[smem:s4], [sflag:s15] =	dma.local [hbm:s2], $0x1  }
0x93: {  	_ =	swait.eq [sflag:s15], $0x1  }
0x94: {  	[sflag:s15] =	ssyncset.done $0x0  }
0x95: {  	s16 =	sld [smem:$0x10];
	[sflag:s15] =	ssyncadd.s32 $0xFFFFFFFF  }
0x96: {  	s17 =	sld [smem:$0x13];
	(tm) =	ssettm $0x1  }
0x97: {  	s18 =	sld [smem:$0x3FFB];
	_ =	sdelay $0x3  }
0x98: {  	_ =	strace s18  }
0x99: {  	s4 =	sld [smem:$0x3FFC];
	_ =	sdelay $0x3  }
0x9a: {  	_ =	strace s4  }
0x9b: {  	s4 =	sld [smem:$0x3FFD];
	_ =	sdelay $0x3  }
0x9c: {  	_ =	strace s4  }
0x9d: {  	_ =	strace $0x8FFFFFFF  }
0x9e: {  	s19 =	sld [smem:$0x3FDB];
	_ =	sdelay $0x1  }
0x9f: {  	s5 =	simm.s32 $_scs_section_size  }
0xa0: {  	s6 =	simm.s32 $_size__tile_overlayer_lowered;
	s7 =	simm.s32 $_tile_overlayer_lowered  }
0xa1: {  	s22 =	simm.s32 $0x1BFF;
	s21 =	sshll.u32 s7, $0x1;
	s4 =	sadd.s32 s5, s19  }
0xa2: {  	s8 =	simm.s32 $0x0;
	s20 =	sshll.u32 s6, $0x1;
	s6 =	sadd.s32 s21, s4  }
0xa3: {  	[timem:s8], [sflag:s22] =	dma.local [hbm:s6], s20  }
0xa4: {  	_ =	swait.ge [sflag:s22], s20  }
0xa5: {  	s5 =	ssub.s32 $0x0, s20;
	[sflag:s22] =	ssyncset.done $0x0  }
0xa6: {  	[sflag:s22] =	ssyncadd.s32 s5;
	_ =	sdelay $0x1  }
0xa7: {  	s23 =	simm.s32 $0x1B8B  }
0xa8: {  	_ =	swait.ge [sflag:s23], $0x1  }
0xa9: {  	[sflag:s23] =	ssyncset.done $0x0  }
0xaa: {  	s25 =	simm.s32 $0x1B8E;
	s24 =	sld [smem:$0x3FFE];
	[sflag:s23] =	ssyncadd.s32 $0xFFFFFFFF  }
0xab: {  	s26 =	simm.s32 $execute0_lowered;
	[smem:$0x3FD2] =	sst s25  }
0xac: {  	s6 =	sshll.u32 s26, $0x1;
	_ =	strace $0x80000049;
	[dreg:$0x1] =	wrdreg $0xFFFFFFFF  }
0xad: {  	s28 =	simm.s32 $_size_execute0_lowered;
	s4 =	sadd.s32 s4, s6;
	[dreg:$0x0] =	wrdreg $0x0  }
0xae: {  	s6 =	sshll.u32 s28, $0x1;
	[dreg:$0x2] =	wrdreg s4  }
0xaf: {  	[dreg:$0x3] =	wrdreg s6  }
0xb0: {  	[dreg:$0x4] =	wrdreg $0xC0  }
0xb1: {  	_ =	task [dreg:s8], $0x5FFFF  }
0xb2: {  	[dreg:$0x1] =	wrdreg $0xFFFFFFFF  }
0xb3: {  	[dreg:$0x0] =	wrdreg $0x60  }
0xb4: {  	[dreg:$0x2] =	wrdreg s24  }
0xb5: {  	[dreg:$0x3] =	wrdreg s17  }
0xb6: {  	[dreg:$0x4] =	wrdreg s16  }
0xb7: {  	[dreg:$0x5] =	wrdreg $0x70000  }
0xb8: {  	[dreg:$0x6] =	wrdreg $0x9  }
0xb9: {  	_ =	task.clear_ibuf [dreg:s8], $0x7FFFF;
	_ =	strace $0x90000049  }
0xba: {  	s29 =	simm.s32 $0x9;
	_ =	strace $0x8000004B  }
0xbb: {  	_ =	swait.ge [sflag:s29], $0x1  }
0xbc: {  	[sflag:s29] =	ssyncadd.s32 $0xFFFFFFFF  }
0xbd: {  	_ =	strace $0x9000004B  }
0xbe: {  	_ =	sfence  }
0xbf: {  	s30 =	sld [smem:$0x0];
	_ =	sdelay $0x2  }
0xc0: {  	s31 =	sshll.u32 s1, $0xD;
	s1 =	sshrl.u32 s1, $0x2  }
0xc1: {  	s3 =	sand.u32 $0x4000, s31;
	s1 =	sadd.s32 s1, s30  }
0xc2: {  	s0 =	sor.u32 s3, s0;
	s1 =	sshll.u32 s1, $0x11  }
0xc3: {  	s0 =	sor.u32 s1, s0  }
0xc4: {  	s0 =	sadd.s32 $0x8F2B, s0  }
0xc5: {  	[sflag:s0] =	ssyncadd.remote.s32 $0x1  }
0xc6: {  	_ =	sfence.sel $0xFFFF  }
0xc7: {  	[dreg:$0x0] =	wrdreg $0xFFFFFFFF;
	(pc) =	sbr.abs _section_cstart, $3  }
0xc8: {  	[dreg:$0x1] =	wrdreg $0xFFFFFFFF  }
0xc9: {  	_ =	task.clear_ibuf [dreg:s8], $0x2FFFF;
	_ =	strace $0x9FFFFFFF  }
0xca: {  	(tm) =	ssettm $0x7FFFFFFF  }
0xcb: {  	_ =	shalt  }
tec
execute0_lowered:
.L_overlay_start_1:
0x0: {  	(tag) =	ssettag $0x1  }
0x1: {  	s6 =	rddreg [dreg:$0x0]  }
0x2: {  	s1 =	rddreg [dreg:$0x1]  }
0x3: {  	s8 =	rddreg [dreg:$0x2]  }
0x4: {  	s2 =	rddreg [dreg:$0x3]  }
0x5: {  	s3 =	srdreg.scid;
	s0 =	rddreg [dreg:$0x4]  }
0x6: {  	s4 =	simm.s32 $0x0;
	s17 =	simm.s32 $0x80;
	s18 =	simm.s32 $0x5000  }
0x7: {  	s19 =	simm.s32 $0x1;
	s20 =	simm.s32 $0x0;
	s7 =	sand.u32 $0x1, s3  }
0x8: {  	s3 =	stileid.u32;
	[smem:$0x7FF] =	sst s4;
	s15 =	sadd.s32 $0x9C000, s2  }
0x9: {  	s16 =	sadd.s32 $0x9C400, s2;
	s5 =	sshll.u32 s7, $0x4;
	s12 =	smul.u32 $0x9C00, s3  }
0xa: {  	_ =	strace $0x8000004A;
	s10 =	ssub.s32 $0x2, s7;
	s30 =	smul.u32 $0x9C400, s7  }
0xb: {  	p0 =	sne.s32 s3, $0xF;
	s13 =	sshll.u32 s3, $0x6;
	s5 =	sor.u32 s3, s5  }
0xc: {  	s11 =	sshrl.u32 s10, $0x1;
	s13 =	sor.u32 $0x1C02, s13;
	s15 =	sshrl.u32 @!p0 s15, $0x3  }
0xd: {  	s16 =	sshrl.u32 @!p0 s16, $0x3;
	s9 =	smul.u32 $0x500, s5;
	s5 =	sadd.s32 $0x3D800, s6  }
0xe: {  	s10 =	ssub.s32 s10, s11;
	s14 =	sadd.s32 s12, s2;
	s11 =	sshrl.u32 s30, $0x3  }
0xf: {  	s31 =	sadd.s32 s12, s30;
	s12 =	simm.s32 $0x2800;
	s11 =	sadd.s32 s8, s11  }
0x10: {  	s10 =	smax.u32 s10, $0x1;
	s14 =	sshrl.u32 s14, $0x3;
	s9 =	sadd.s32 s9, s6  }
0x11: {  	s6 =	sadd.s32 $0xC600, s9;
	s7 =	sadd.s32 $0x2600, s9;
	s9 =	sshrl.u32 s31, $0x3  }
0x12: {  	s8 =	sadd.s32 s8, s9;
	s9 =	sadd.s32 $0x13800, s11;
	s11 =	simm.s32 $0x2  }
.LBB2_1:
0x13: {  	[tilespmem:s4], [sflag:$0x2] =	stream.linear.gather [hbm4b:s6+s4], $0x2800, $0x38;
	[tilespmem:$0x10C60] =	vst v63  }
0x14: {  	_ =	swait.ge [sflag:s11], $0x2800  }
0x15: {  	[sflag:s11] =	ssyncset.done $0x0  }
0x16: {  	[sflag:s11] =	ssyncadd.s32 $0xFFFFD800  }
0x17: {  	[tilespmem:s12], [sflag:$0x2] =	stream.linear.gather [hbm4b:s7+s4], $0x2800, $0x38;
	[tilespmem:$0x10C60] =	vst v63  }
0x18: {  	_ =	swait.ge [sflag:s11], $0x2800  }
0x19: {  	[sflag:s11] =	ssyncset.done $0x0  }
0x1a: {  	[sflag:s11] =	ssyncadd.s32 $0xFFFFD800  }
0x1b: {  	[spmem:s14], [sflag:s13] =	dma.local [hbm:s1], $0x1380  }
0x1c: {  	_ =	swait.ge [sflag:s11], $0x1380  }
0x1d: {  	[sflag:s11] =	ssyncset.done $0x0  }
0x1e: {  	s21 =	simm.s32 @!p0 $0x2;
	[sflag:s11] =	ssyncadd.s32 $0xFFFFEC80  }
0x1f: {  	[spmem:s15], [sflag:s13] =	dma.local @!p0 [hbm:s1], $0x80  }
0x20: {  	_ =	swait.ge @!p0 [sflag:s21], $0x80  }
0x21: {  	[sflag:s21] =	ssyncset.done @!p0 $0x0  }
0x22: {  	[sflag:s21] =	ssyncadd.s32 @!p0 $0xFFFFFF80  }
0x23: {  	[spmem:s16], [sflag:s13] =	dma.local @!p0 [hbm:s1], $0x40  }
0x24: {  	_ =	swait.ge @!p0 [sflag:s21], $0x40  }
0x25: {  	[sflag:s21] =	ssyncset.done @!p0 $0x0  }
0x26: {  	[sflag:s21] =	ssyncadd.s32 @!p0 $0xFFFFFFC0  }
0x27: {  	s30 =	simm.s32 $0x0;
	[bflag:$0x0] =	sbarrier.arrive $0xFFFF  }
0x28: {  	[tilespmem:s18], [sflag:$0x1] =	stream.indirect.gather [hbm4b:s5+s17], $0x40, s30, s17, $0xb8;
	[tilespmem:$0x10C60] =	vst v63  }
0x29: {  	_ =	swait.ge [sflag:s19], $0x2000  }
0x2a: {  	[sflag:s19] =	ssyncset.done $0x0  }
0x2b: {  	s31 =	simm.s32 $0x2800;
	[sflag:s19] =	ssyncadd.s32 $0xFFFFE000  }
0x2c: {  	[spmem:s2] =	stream.indirect.scatter.add.f32 [tilespmem:s18], [sflag:$0x2], $0x40, s31, s17, $0xb8;
	[tilespmem:$0x10C60] =	vst v63  }
0x2d: {  	_ =	swait.ge [sflag:s11], $0x2000  }
0x2e: {  	s22 =	simm.s32 $0x400;
	s21 =	simm.s32 $0x200;
	[sflag:s11] =	ssyncset.done $0x0  }
.LBB2_2:
0x2f: {  	s23 =	sshra.s32 s21, $0x2  }
0x30: {  	[sflag:s11] =	ssyncadd.s32 $0xFFFFE000;
	s21 =	smov.u32 s22;
	s24 =	sadd.s32 $0x200, s22  }
0x31: {  	[tilespmem:s18], [sflag:$0x1] =	stream.indirect.gather [hbm4b:s5+s17], $0x40, s23, s17, $0xb8;
	[tilespmem:$0x10C60] =	vst v63  }
0x32: {  	p1 =	sne.s32 s22, $0x9E00;
	_ =	swait.ge [sflag:s19], $0x2000  }
.Ltmp0:
0x33: {  	[sflag:s19] =	ssyncset.done $0x0;
	(pc) =	sbr.rel @p1 .LBB2_2-.Ltmp0, $4  }
0x34: {  	s22 =	sadd.s32 $0x2800, s23;
	[sflag:s19] =	ssyncadd.s32 $0xFFFFE000  }
0x35: {  	[spmem:s2] =	stream.indirect.scatter.add.f32 [tilespmem:s18], [sflag:$0x2], $0x40, s22, s17, $0xb8;
	[tilespmem:$0x10C60] =	vst v63  }
0x36: {  	_ =	swait.ge [sflag:s11], $0x2000  }
0x37: {  	s22 =	smov.u32 s24;
	[sflag:s11] =	ssyncset.done $0x0  }
0x38: {  	s21 =	sshra.s32 s21, $0x2;
	[sflag:s11] =	ssyncadd.s32 $0xFFFFE000  }
0x39: {  	[tilespmem:s18], [sflag:$0x1] =	stream.indirect.gather [hbm4b:s5+s17], $0x40, s21, s17, $0xb8;
	[tilespmem:$0x10C60] =	vst v63  }
0x3a: {  	_ =	swait.ge [sflag:s19], $0x2000  }
0x3b: {  	[sflag:s19] =	ssyncset.done $0x0  }
0x3c: {  	s21 =	sadd.s32 $0x2800, s21;
	[sflag:s19] =	ssyncadd.s32 $0xFFFFE000  }
0x3d: {  	[spmem:s2] =	stream.indirect.scatter.add.f32 [tilespmem:s18], [sflag:$0x2], $0x40, s21, s17, $0xb8;
	[tilespmem:$0x10C60] =	vst v63  }
0x3e: {  	_ =	swait.ge [sflag:s11], $0x2000  }
0x3f: {  	[sflag:s11] =	ssyncset.done $0x0  }
0x40: {  	[sflag:s11] =	ssyncadd.s32 $0xFFFFE000  }
0x41: {  	[bflag:$0x0] =	sbarrier.arrive $0xFFFF  }
0x42: {  	[hbm:s8], [sflag:s13] =	dma.local [spmem:s14], $0x1380  }
0x43: {  	s20 =	sadd.s32 $0x1, s20;
	_ =	swait.ge [sflag:s11], $0x1380  }
0x44: {  	p1 =	sne.s32 s20, s10;
	[sflag:s11] =	ssyncset.done $0x0  }
.Ltmp1:
0x45: {  	s21 =	simm.s32 @!p0 $0x2;
	[sflag:s11] =	ssyncadd.s32 $0xFFFFEC80;
	(pc) =	sbr.rel @p1 .LBB2_1-.Ltmp1, $4  }
0x46: {  	[hbm:s9], [sflag:s13] =	dma.local @!p0 [spmem:s15], $0x80  }
0x47: {  	_ =	swait.ge @!p0 [sflag:s21], $0x80  }
0x48: {  	[sflag:s21] =	ssyncset.done @!p0 $0x0  }
0x49: {  	[sflag:s21] =	ssyncadd.s32 @!p0 $0xFFFFFF80  }
0x4a: {  	_ =	sfence.sel $0x180000  }
0x4b: {  	[bflag:$0x0] =	sbarrier.arrive $0xFFFF  }
0x4c: {  	p0 =	sne.s32 s3, $0x0;
	_ =	strace $0x9000004A  }
0x4d: {  	s0 =	sadd.s32 @!p0 $0x100000, s0;
	[bflag:$0x2] =	sbarrier.arrive $0xFFFF  }
0x4e: {  	[sflag:s0] =	ssyncadd.tile.s32 @!p0 $0x1;
	_ =	shalt  }
.Lfunc_end2:
_tile_overlayer_lowered:
.L_overlay_start_2:
0x4f: {  	(tag) =	ssettag $0x2  }
0x50: {  	s0 =	rddreg [dreg:$0x0];
	s2 =	stileid.u32  }
0x51: {  	s1 =	rddreg [dreg:$0x1];
	p0 =	sne.s32 s2, $0x0  }
0x52: {  	s3 =	rddreg [dreg:$0x2];
	[bflag:$0x3] =	sbarrier.arrive $0xFFFF;
	s2 =	simm.s32 @!p0 $0x1C02  }
0x53: {  	[timem:s3], [sflag:s2] =	dma.local @!p0 [hbm:s0], s1  }
0x54: {  	s0 =	simm.s32 @!p0 $0x2  }
0x55: {  	_ =	swait.ge @!p0 [sflag:s0], s1  }
0x56: {  	s1 =	ssub.s32 @!p0 $0x0, s1;
	[sflag:s0] =	ssyncset.done @!p0 $0x0  }
0x57: {  	[sflag:s0] =	ssyncadd.s32 @!p0 s1  }
0x58: {  	[bflag:$0x3] =	sbarrier.arrive $0xFFFF  }
0x59: {  	_ =	shalt  }

// kernel: kernel.15.cloned.1.call-start
scs
__scs_entry_jumppad:
0x0: {  	(pc) =	sbr.rel $0x88, $3  }
0x1: {  	(tag) =	ssettag $0x0;
	lr =	simm.s32 $0x1  }
0x2: {  	[smem:$0x3F94] =	sst lr;
	_ =	strace $0xD0000000  }
0x3: {  	_ = 	snop  }
0x4: {  	_ = 	snop  }
0x5: {  	_ = 	snop  }
0x6: {  	_ = 	snop  }
0x7: {  	_ = 	snop  }
__scs_overlays_trampoline_lowered:
0x8: {  	[smem:$0x3FA3] =	sst s0  }
0x9: {  	[smem:$0x3FA4] =	sst s1  }
0xa: {  	[smem:$0x3FA5] =	sst s2  }
0xb: {  	[smem:$0x3FA6] =	sst s3  }
0xc: {  	[smem:$0x3FA7] =	sst s4  }
0xd: {  	[smem:$0x3FA8] =	sst s5  }
0xe: {  	[smem:$0x3FA9] =	sst s6  }
0xf: {  	[smem:$0x3FAA] =	sst s7  }
0x10: {  	[smem:$0x3FAB] =	sst s8  }
0x11: {  	[smem:$0x3FAC] =	sst s9;
	s0 =	simm.s32 @!p0 $0x0  }
0x12: {  	s1 =	sld [smem:$0x3F92];
	s0 =	simm.s32 @p0 $0x1  }
0x13: {  	[smem:$0x3FAD] =	sst s0;
	s0 =	simm.s32 @!p1 $0x0  }
0x14: {  	s2 =	sld [smem:$0x3F91];
	s0 =	simm.s32 @p1 $0x1  }
0x15: {  	[smem:$0x3FAE] =	sst s0;
	s0 =	simm.s32 @!p2 $0x0  }
0x16: {  	s3 =	sld [smem:$0x3FDB];
	s0 =	simm.s32 @p2 $0x1  }
0x17: {  	s4 =	simm.s32 $0x1BF5;
	[smem:$0x3FB0] =	sst s0  }
0x18: {  	s0 =	sld [smem:$0x3F93];
	_ =	swait.ge [sflag:s4], $0x0  }
0x19: {  	s7 =	sld [smem:$0x3F94]  }
0x1a: {  	s8 =	sadd.s32 $0xFFFFE003, lr  }
0x1b: {  	s9 =	sadd.s32 $0xFFFFFEF7, lr;
	s5 =	simm.s32 $0xFFFFFFFF;
	p2 =	slt.u32 s8, $0xFFFFF086  }
0x1c: {  	p1 =	slt.u32 s9, $0xF7A;
	s5 =	simm.s32 @!p2 $0x0  }
0x1d: {  	s5 =	simm.s32 @p1 $0x1;
	p0 =	seq.s32 s7, s2  }
0x1e: {  	s7 =	smul.u32 @!p0 $0xF7A, s2;
	p2 =	seq.s32 @!p0 s5, $0x0  }
0x1f: {  	s9 =	smul.u32 $0xF7A, s1;
	s8 =	simm.s32 @!p0 $0x1BF5;
	p2 =	por !p2, p0  }
0x20: {  	[sflag:s8] =	ssyncset.s32 @!p0 $0xFFFFF086;
	s6 =	sadd.s32 @!p0 s3, s7;
	s7 =	simm.s32 @!p0 $0x108  }
0x21: {  	s3 =	sadd.s32 s3, s9;
	s6 =	sadd.s32 @!p0 $0x88, s6;
	s7 =	simm.s32 @p2 $0x1082  }
0x22: {  	[simem:s7], [sflag:s8] =	dma.local @!p0 [hbm:s6], $0xF7A  }
0x23: {  	s9 =	sor.u32 $0xD0000000, s2;
	s6 =	simm.s32 $0x108;
	_ =	swait.ge @!p0 [sflag:s8], $0x0  }
0x24: {  	s3 =	sadd.s32 $0x88, s3;
	s6 =	simm.s32 @!p1 $0x1082;
	[sflag:s4] =	ssyncset.s32 $0xFFFFF086  }
0x25: {  	[simem:s6], [sflag:s4] =	dma.local [hbm:s3], $0xF7A  }
0x26: {  	[smem:$0x3F94] =	sst s1;
	(tag) =	ssettag s2;
	_ =	strace s9  }
0x27: {  	s1 =	sld [smem:$0x3FA4]  }
0x28: {  	s2 =	sld [smem:$0x3FA5]  }
0x29: {  	s4 =	sld [smem:$0x3FA7]  }
0x2a: {  	p0 =	seq.s32 s5, $0x0;
	s5 =	sld [smem:$0x3FA8]  }
0x2b: {  	s6 =	sld [smem:$0x3FA9]  }
0x2c: {  	s7 =	sld [smem:$0x3FAA]  }
0x2d: {  	s3 =	simm.s32 $0x108;
	s8 =	sld [smem:$0x3FAB]  }
0x2e: {  	s3 =	simm.s32 @!p0 $0x1082;
	s9 =	sld [smem:$0x3FAC]  }
0x2f: {  	lr =	sadd.s32 s0, s3;
	s0 =	sld [smem:$0x3FA3]  }
0x30: {  	s3 =	sld [smem:$0x3FA6]  }
0x31: {  	[smem:$0x3FAF] =	sst s10  }
0x32: {  	s10 =	sld [smem:$0x3FAD];
	_ =	sdelay $0x3  }
0x33: {  	p0 =	seq.s32 s10, $0x1;
	s10 =	sld [smem:$0x3FAF];
	_ =	sdelay $0x3  }
0x34: {  	[smem:$0x3FAF] =	sst s10  }
0x35: {  	s10 =	sld [smem:$0x3FAE];
	_ =	sdelay $0x3  }
0x36: {  	p1 =	seq.s32 s10, $0x1;
	s10 =	sld [smem:$0x3FAF];
	_ =	sdelay $0x3  }
0x37: {  	[smem:$0x3FAF] =	sst s10  }
0x38: {  	s10 =	sld [smem:$0x3FB0]  }
0x39: {  	_ = 	snop;
	(pc) =	sbr.ind lr, $3  }
0x3a: {  	_ = 	snop  }
0x3b: {  	_ = 	snop  }
0x3c: {  	p2 =	seq.s32 s10, $0x1;
	s10 =	sld [smem:$0x3FAF]  }
0x3d: {  	_ =	shalt  }
0x3e: {  	_ =	shalt  }
0x3f: {  	_ =	shalt  }
0x40: {  	_ =	shalt  }
0x41: {  	_ =	shalt  }
0x42: {  	_ =	shalt  }
0x43: {  	_ =	shalt  }
0x44: {  	_ =	shalt  }
0x45: {  	_ =	shalt  }
0x46: {  	_ =	shalt  }
0x47: {  	_ =	shalt  }
0x48: {  	_ =	shalt  }
0x49: {  	_ =	shalt  }
0x4a: {  	_ =	shalt  }
0x4b: {  	_ =	shalt  }
0x4c: {  	_ =	shalt  }
0x4d: {  	_ =	shalt  }
0x4e: {  	_ =	shalt  }
0x4f: {  	_ =	shalt  }
0x50: {  	_ =	shalt  }
0x51: {  	_ =	shalt  }
0x52: {  	_ =	shalt  }
0x53: {  	_ =	shalt  }
0x54: {  	_ =	shalt  }
0x55: {  	_ =	shalt  }
0x56: {  	_ =	shalt  }
0x57: {  	_ =	shalt  }
0x58: {  	_ =	shalt  }
0x59: {  	_ =	shalt  }
0x5a: {  	_ =	shalt  }
0x5b: {  	_ =	shalt  }
0x5c: {  	_ =	shalt  }
0x5d: {  	_ =	shalt  }
0x5e: {  	_ =	shalt  }
0x5f: {  	_ =	shalt  }
0x60: {  	_ =	shalt  }
0x61: {  	_ =	shalt  }
0x62: {  	_ =	shalt  }
0x63: {  	_ =	shalt  }
0x64: {  	_ =	shalt  }
0x65: {  	_ =	shalt  }
0x66: {  	_ =	shalt  }
0x67: {  	_ =	shalt  }
0x68: {  	_ =	shalt  }
0x69: {  	_ =	shalt  }
0x6a: {  	_ =	shalt  }
0x6b: {  	_ =	shalt  }
0x6c: {  	_ =	shalt  }
0x6d: {  	_ =	shalt  }
0x6e: {  	_ =	shalt  }
0x6f: {  	_ =	shalt  }
0x70: {  	_ =	shalt  }
0x71: {  	_ =	shalt  }
0x72: {  	_ =	shalt  }
0x73: {  	_ =	shalt  }
0x74: {  	_ =	shalt  }
0x75: {  	_ =	shalt  }
0x76: {  	_ =	shalt  }
0x77: {  	_ =	shalt  }
0x78: {  	_ =	shalt  }
0x79: {  	_ =	shalt  }
0x7a: {  	_ =	shalt  }
0x7b: {  	_ =	shalt  }
0x7c: {  	_ =	shalt  }
0x7d: {  	_ =	shalt  }
0x7e: {  	_ =	shalt  }
0x7f: {  	_ =	shalt  }
0x80: {  	_ =	shalt  }
0x81: {  	_ =	shalt  }
0x82: {  	_ =	shalt  }
0x83: {  	_ =	shalt  }
0x84: {  	_ =	shalt  }
0x85: {  	_ =	shalt  }
0x86: {  	_ =	shalt  }
0x87: {  	_ =	shalt  }
.Lfunc_end0:
.L_simem_size_0:
called_computation.2_lowered:
.L_overlay_start_0:
0x88: {  	s2 =	sld [smem:$0x3FD9]  }
0x89: {  	s3 =	sld [smem:$0x3FFE];
	_ =	sdelay $0x1  }
0x8a: {  	s1 =	srdreg.scid  }
0x8b: {  	s0 =	sand.u32 $0x1, s1  }
0x8c: {  	s14 =	sshll.u32 s0, $0xA;
	s2 =	sadd.s32 s3, s2  }
0x8d: {  	s2 =	sadd.s32 s2, s14  }
0x8e: {  	[smem:$0x3FBB] =	sst s2  }
0x8f: {  	_ = 	snop  }
0x90: {  	s2 =	sld [smem:$0x3FD0];
	_ =	sdelay $0x2  }
0x91: {  	s15 =	simm.s32 $0xA;
	s4 =	simm.s32 $0x10  }
0x92: {  	[smem:s4], [sflag:s15] =	dma.local [hbm:s2], $0x1  }
0x93: {  	_ =	swait.eq [sflag:s15], $0x1  }
0x94: {  	[sflag:s15] =	ssyncset.done $0x0  }
0x95: {  	s16 =	sld [smem:$0x10];
	[sflag:s15] =	ssyncadd.s32 $0xFFFFFFFF  }
0x96: {  	s17 =	sld [smem:$0x12];
	(tm) =	ssettm $0x1  }
0x97: {  	s18 =	sld [smem:$0x3FFB];
	_ =	sdelay $0x3  }
0x98: {  	_ =	strace s18  }
0x99: {  	s4 =	sld [smem:$0x3FFC];
	_ =	sdelay $0x3  }
0x9a: {  	_ =	strace s4  }
0x9b: {  	s4 =	sld [smem:$0x3FFD];
	_ =	sdelay $0x3  }
0x9c: {  	_ =	strace s4  }
0x9d: {  	_ =	strace $0x8FFFFFFF  }
0x9e: {  	s19 =	sld [smem:$0x3FDB];
	_ =	sdelay $0x1  }
0x9f: {  	s5 =	simm.s32 $_scs_section_size  }
0xa0: {  	s6 =	simm.s32 $_size__tile_overlayer_lowered;
	s7 =	simm.s32 $_tile_overlayer_lowered  }
0xa1: {  	s22 =	simm.s32 $0x1BFF;
	s21 =	sshll.u32 s7, $0x1;
	s4 =	sadd.s32 s5, s19  }
0xa2: {  	s8 =	simm.s32 $0x0;
	s20 =	sshll.u32 s6, $0x1;
	s6 =	sadd.s32 s21, s4  }
0xa3: {  	[timem:s8], [sflag:s22] =	dma.local [hbm:s6], s20  }
0xa4: {  	_ =	swait.ge [sflag:s22], s20  }
0xa5: {  	s5 =	ssub.s32 $0x0, s20;
	[sflag:s22] =	ssyncset.done $0x0  }
0xa6: {  	[sflag:s22] =	ssyncadd.s32 s5;
	_ =	sdelay $0x1  }
0xa7: {  	s23 =	simm.s32 $0x1B8B  }
0xa8: {  	_ =	swait.ge [sflag:s23], $0x1  }
0xa9: {  	[sflag:s23] =	ssyncset.done $0x0  }
0xaa: {  	s25 =	simm.s32 $0x1B8E;
	s24 =	sld [smem:$0x3FFE];
	[sflag:s23] =	ssyncadd.s32 $0xFFFFFFFF  }
0xab: {  	s26 =	simm.s32 $execute0_lowered;
	[smem:$0x3FD2] =	sst s25  }
0xac: {  	s6 =	sshll.u32 s26, $0x1;
	_ =	strace $0x8000004C;
	[dreg:$0x1] =	wrdreg $0xFFFFFFFF  }
0xad: {  	s28 =	simm.s32 $_size_execute0_lowered;
	s4 =	sadd.s32 s4, s6;
	[dreg:$0x0] =	wrdreg $0x0  }
0xae: {  	s6 =	sshll.u32 s28, $0x1;
	[dreg:$0x2] =	wrdreg s4  }
0xaf: {  	[dreg:$0x3] =	wrdreg s6  }
0xb0: {  	[dreg:$0x4] =	wrdreg $0xC0  }
0xb1: {  	_ =	task [dreg:s8], $0x5FFFF  }
0xb2: {  	[dreg:$0x1] =	wrdreg $0xFFFFFFFF  }
0xb3: {  	[dreg:$0x0] =	wrdreg $0x60  }
0xb4: {  	[dreg:$0x2] =	wrdreg s17  }
0xb5: {  	[dreg:$0x3] =	wrdreg s24  }
0xb6: {  	[dreg:$0x4] =	wrdreg s16  }
0xb7: {  	[dreg:$0x5] =	wrdreg $0x60000  }
0xb8: {  	[dreg:$0x6] =	wrdreg $0x9  }
0xb9: {  	_ =	task.clear_ibuf [dreg:s8], $0x7FFFF;
	_ =	strace $0x9000004C  }
0xba: {  	s29 =	simm.s32 $0x9;
	_ =	strace $0x8000004E  }
0xbb: {  	_ =	swait.ge [sflag:s29], $0x1  }
0xbc: {  	[sflag:s29] =	ssyncadd.s32 $0xFFFFFFFF  }
0xbd: {  	_ =	strace $0x9000004E  }
0xbe: {  	_ =	sfence  }
0xbf: {  	s30 =	sld [smem:$0x0];
	_ =	sdelay $0x2  }
0xc0: {  	s31 =	sshll.u32 s1, $0xD;
	s1 =	sshrl.u32 s1, $0x2  }
0xc1: {  	s3 =	sand.u32 $0x4000, s31;
	s1 =	sadd.s32 s1, s30  }
0xc2: {  	s0 =	sor.u32 s3, s0;
	s1 =	sshll.u32 s1, $0x11  }
0xc3: {  	s0 =	sor.u32 s1, s0  }
0xc4: {  	s0 =	sadd.s32 $0x8F2B, s0  }
0xc5: {  	[sflag:s0] =	ssyncadd.remote.s32 $0x1  }
0xc6: {  	_ =	sfence.sel $0xFFFF  }
0xc7: {  	[dreg:$0x0] =	wrdreg $0xFFFFFFFF;
	(pc) =	sbr.abs _section_cstart, $3  }
0xc8: {  	[dreg:$0x1] =	wrdreg $0xFFFFFFFF  }
0xc9: {  	_ =	task.clear_ibuf [dreg:s8], $0x2FFFF;
	_ =	strace $0x9FFFFFFF  }
0xca: {  	(tm) =	ssettm $0x7FFFFFFF  }
0xcb: {  	_ =	shalt  }
tec
execute0_lowered:
.L_overlay_start_1:
0x0: {  	(tag) =	ssettag $0x1  }
0x1: {  	s0 =	rddreg [dreg:$0x0]  }
0x2: {  	s5 =	rddreg [dreg:$0x1]  }
0x3: {  	s1 =	srdreg.scid;
	s8 =	rddreg [dreg:$0x2]  }
0x4: {  	s3 =	rddreg [dreg:$0x3];
	s2 =	stileid.u32  }
0x5: {  	s4 =	simm.s32 $0x0;
	s12 =	simm.s32 $0x2800;
	s17 =	simm.s32 $0x80  }
0x6: {  	s18 =	simm.s32 $0x5000;
	s6 =	sand.u32 $0x1, s1;
	s1 =	rddreg [dreg:$0x4]  }
0x7: {  	s19 =	simm.s32 $0x1;
	s20 =	simm.s32 $0x0;
	[smem:$0x7FF] =	sst s4  }
0x8: {  	s11 =	smul.u32 $0x4E00, s2;
	s15 =	sadd.s32 $0x4E000, s3;
	s16 =	sadd.s32 $0x4E200, s3  }
0x9: {  	p0 =	sne.s32 s2, $0xF;
	s13 =	sshll.u32 s2, $0x6;
	s7 =	sshll.u32 s6, $0x4  }
0xa: {  	_ =	strace $0x8000004D;
	s9 =	ssub.s32 $0x2, s6;
	s31 =	smul.u32 $0x4E200, s6  }
0xb: {  	s13 =	sor.u32 $0x1C02, s13;
	s15 =	sshrl.u32 @!p0 s15, $0x3;
	s16 =	sshrl.u32 @!p0 s16, $0x3  }
0xc: {  	s7 =	sor.u32 s2, s7;
	s10 =	sshrl.u32 s9, $0x1;
	s14 =	sadd.s32 s11, s3  }
0xd: {  	s7 =	smul.u32 $0x500, s7;
	s10 =	ssub.s32 s9, s10;
	s11 =	sadd.s32 s11, s31  }
0xe: {  	s9 =	sshrl.u32 s31, $0x3;
	s14 =	sshrl.u32 s14, $0x3;
	s11 =	sshrl.u32 s11, $0x3  }
0xf: {  	s9 =	sadd.s32 s8, s9;
	s10 =	smax.u32 s10, $0x1;
	s7 =	sadd.s32 s7, s5  }
0x10: {  	s5 =	sadd.s32 $0x3D800, s5;
	s8 =	sadd.s32 s8, s11;
	s9 =	sadd.s32 $0x9C00, s9  }
0x11: {  	s11 =	simm.s32 $0x2;
	s6 =	sadd.s32 $0xC600, s7;
	s7 =	sadd.s32 $0x2600, s7  }
.LBB2_1:
0x12: {  	[tilespmem:s4], [sflag:$0x2] =	stream.linear.gather [hbm4b:s6+s4], $0x2800, $0x38;
	[tilespmem:$0xAE30] =	vst v63  }
0x13: {  	_ =	swait.ge [sflag:s11], $0x2800  }
0x14: {  	[sflag:s11] =	ssyncset.done $0x0  }
0x15: {  	[sflag:s11] =	ssyncadd.s32 $0xFFFFD800  }
0x16: {  	[tilespmem:s12], [sflag:$0x2] =	stream.linear.gather [hbm4b:s7+s4], $0x2800, $0x38;
	[tilespmem:$0xAE30] =	vst v63  }
0x17: {  	_ =	swait.ge [sflag:s11], $0x2800  }
0x18: {  	[sflag:s11] =	ssyncset.done $0x0  }
0x19: {  	[sflag:s11] =	ssyncadd.s32 $0xFFFFD800  }
0x1a: {  	[spmem:s14], [sflag:s13] =	dma.local [hbm:s5], $0x9C0  }
0x1b: {  	_ =	swait.ge [sflag:s11], $0x9C0  }
0x1c: {  	[sflag:s11] =	ssyncset.done $0x0  }
0x1d: {  	s21 =	simm.s32 @!p0 $0x2;
	[sflag:s11] =	ssyncadd.s32 $0xFFFFF640  }
0x1e: {  	[spmem:s15], [sflag:s13] =	dma.local @!p0 [hbm:s5], $0x40  }
0x1f: {  	_ =	swait.ge @!p0 [sflag:s21], $0x40  }
0x20: {  	[sflag:s21] =	ssyncset.done @!p0 $0x0  }
0x21: {  	[sflag:s21] =	ssyncadd.s32 @!p0 $0xFFFFFFC0  }
0x22: {  	[spmem:s16], [sflag:s13] =	dma.local @!p0 [hbm:s5], $0x20  }
0x23: {  	_ =	swait.ge @!p0 [sflag:s21], $0x20  }
0x24: {  	[sflag:s21] =	ssyncset.done @!p0 $0x0  }
0x25: {  	[sflag:s21] =	ssyncadd.s32 @!p0 $0xFFFFFFE0  }
0x26: {  	s30 =	simm.s32 $0x0;
	[bflag:$0x0] =	sbarrier.arrive $0xFFFF  }
0x27: {  	[tilespmem:s18], [sflag:$0x1] =	stream.indirect.gather [hbm4b:s0+s17], $0x20, s30, s17, $0xb8;
	[tilespmem:$0xAE30] =	vst v63  }
0x28: {  	_ =	swait.ge [sflag:s19], $0x1000  }
0x29: {  	[sflag:s19] =	ssyncset.done $0x0  }
0x2a: {  	s31 =	simm.s32 $0x2800;
	[sflag:s19] =	ssyncadd.s32 $0xFFFFF000  }
0x2b: {  	[spmem:s3] =	stream.indirect.scatter.add.f32 [tilespmem:s18], [sflag:$0x2], $0x20, s31, s17, $0xb8;
	[tilespmem:$0xAE30] =	vst v63  }
0x2c: {  	_ =	swait.ge [sflag:s11], $0x1000  }
0x2d: {  	s22 =	simm.s32 $0x400;
	s21 =	simm.s32 $0x200;
	[sflag:s11] =	ssyncset.done $0x0  }
.LBB2_2:
0x2e: {  	s23 =	sshra.s32 s21, $0x2  }
0x2f: {  	[sflag:s11] =	ssyncadd.s32 $0xFFFFF000;
	s21 =	smov.u32 s22;
	s24 =	sadd.s32 $0x200, s22  }
0x30: {  	[tilespmem:s18], [sflag:$0x1] =	stream.indirect.gather [hbm4b:s0+s17], $0x20, s23, s17, $0xb8;
	[tilespmem:$0xAE30] =	vst v63  }
0x31: {  	p1 =	sne.s32 s22, $0x9E00;
	_ =	swait.ge [sflag:s19], $0x1000  }
.Ltmp0:
0x32: {  	[sflag:s19] =	ssyncset.done $0x0;
	(pc) =	sbr.rel @p1 .LBB2_2-.Ltmp0, $4  }
0x33: {  	s22 =	sadd.s32 $0x2800, s23;
	[sflag:s19] =	ssyncadd.s32 $0xFFFFF000  }
0x34: {  	[spmem:s3] =	stream.indirect.scatter.add.f32 [tilespmem:s18], [sflag:$0x2], $0x20, s22, s17, $0xb8;
	[tilespmem:$0xAE30] =	vst v63  }
0x35: {  	_ =	swait.ge [sflag:s11], $0x1000  }
0x36: {  	s22 =	smov.u32 s24;
	[sflag:s11] =	ssyncset.done $0x0  }
0x37: {  	s21 =	sshra.s32 s21, $0x2;
	[sflag:s11] =	ssyncadd.s32 $0xFFFFF000  }
0x38: {  	[tilespmem:s18], [sflag:$0x1] =	stream.indirect.gather [hbm4b:s0+s17], $0x20, s21, s17, $0xb8;
	[tilespmem:$0xAE30] =	vst v63  }
0x39: {  	_ =	swait.ge [sflag:s19], $0x1000  }
0x3a: {  	[sflag:s19] =	ssyncset.done $0x0  }
0x3b: {  	s21 =	sadd.s32 $0x2800, s21;
	[sflag:s19] =	ssyncadd.s32 $0xFFFFF000  }
0x3c: {  	[spmem:s3] =	stream.indirect.scatter.add.f32 [tilespmem:s18], [sflag:$0x2], $0x20, s21, s17, $0xb8;
	[tilespmem:$0xAE30] =	vst v63  }
0x3d: {  	_ =	swait.ge [sflag:s11], $0x1000  }
0x3e: {  	[sflag:s11] =	ssyncset.done $0x0  }
0x3f: {  	[sflag:s11] =	ssyncadd.s32 $0xFFFFF000  }
0x40: {  	[bflag:$0x0] =	sbarrier.arrive $0xFFFF  }
0x41: {  	[hbm:s8], [sflag:s13] =	dma.local [spmem:s14], $0x9C0  }
0x42: {  	s20 =	sadd.s32 $0x1, s20;
	_ =	swait.ge [sflag:s11], $0x9C0  }
0x43: {  	p1 =	sne.s32 s20, s10;
	[sflag:s11] =	ssyncset.done $0x0  }
.Ltmp1:
0x44: {  	s21 =	simm.s32 @!p0 $0x2;
	[sflag:s11] =	ssyncadd.s32 $0xFFFFF640;
	(pc) =	sbr.rel @p1 .LBB2_1-.Ltmp1, $4  }
0x45: {  	[hbm:s9], [sflag:s13] =	dma.local @!p0 [spmem:s15], $0x40  }
0x46: {  	_ =	swait.ge @!p0 [sflag:s21], $0x40  }
0x47: {  	[sflag:s21] =	ssyncset.done @!p0 $0x0  }
0x48: {  	[sflag:s21] =	ssyncadd.s32 @!p0 $0xFFFFFFC0  }
0x49: {  	_ =	sfence.sel $0x180000  }
0x4a: {  	[bflag:$0x0] =	sbarrier.arrive $0xFFFF  }
0x4b: {  	p0 =	sne.s32 s2, $0x0;
	_ =	strace $0x9000004D  }
0x4c: {  	s0 =	sadd.s32 @!p0 $0x100000, s1;
	[bflag:$0x2] =	sbarrier.arrive $0xFFFF  }
0x4d: {  	[sflag:s0] =	ssyncadd.tile.s32 @!p0 $0x1;
	_ =	shalt  }
.Lfunc_end2:
_tile_overlayer_lowered:
.L_overlay_start_2:
0x4e: {  	(tag) =	ssettag $0x2  }
0x4f: {  	s0 =	rddreg [dreg:$0x0];
	s2 =	stileid.u32  }
0x50: {  	s1 =	rddreg [dreg:$0x1];
	p0 =	sne.s32 s2, $0x0  }
0x51: {  	s3 =	rddreg [dreg:$0x2];
	[bflag:$0x3] =	sbarrier.arrive $0xFFFF;
	s2 =	simm.s32 @!p0 $0x1C02  }
0x52: {  	[timem:s3], [sflag:s2] =	dma.local @!p0 [hbm:s0], s1  }
0x53: {  	s0 =	simm.s32 @!p0 $0x2  }
0x54: {  	_ =	swait.ge @!p0 [sflag:s0], s1  }
0x55: {  	s1 =	ssub.s32 @!p0 $0x0, s1;
	[sflag:s0] =	ssyncset.done @!p0 $0x0  }
0x56: {  	[sflag:s0] =	ssyncadd.s32 @!p0 s1  }
0x57: {  	[bflag:$0x3] =	sbarrier.arrive $0xFFFF  }
0x58: {  	_ =	shalt  }

// kernel: kernel.9.cloned.1.call-start
scs
__scs_entry_jumppad:
0x0: {  	(pc) =	sbr.rel $0x88, $3  }
0x1: {  	(tag) =	ssettag $0x0;
	lr =	simm.s32 $0x1  }
0x2: {  	[smem:$0x3F94] =	sst lr;
	_ =	strace $0xD0000000  }
0x3: {  	_ = 	snop  }
0x4: {  	_ = 	snop  }
0x5: {  	_ = 	snop  }
0x6: {  	_ = 	snop  }
0x7: {  	_ = 	snop  }
__scs_overlays_trampoline_lowered:
0x8: {  	[smem:$0x3FA3] =	sst s0  }
0x9: {  	[smem:$0x3FA4] =	sst s1  }
0xa: {  	[smem:$0x3FA5] =	sst s2  }
0xb: {  	[smem:$0x3FA6] =	sst s3  }
0xc: {  	[smem:$0x3FA7] =	sst s4  }
0xd: {  	[smem:$0x3FA8] =	sst s5  }
0xe: {  	[smem:$0x3FA9] =	sst s6  }
0xf: {  	[smem:$0x3FAA] =	sst s7  }
0x10: {  	[smem:$0x3FAB] =	sst s8  }
0x11: {  	[smem:$0x3FAC] =	sst s9;
	s0 =	simm.s32 @!p0 $0x0  }
0x12: {  	s1 =	sld [smem:$0x3F92];
	s0 =	simm.s32 @p0 $0x1  }
0x13: {  	[smem:$0x3FAD] =	sst s0;
	s0 =	simm.s32 @!p1 $0x0  }
0x14: {  	s2 =	sld [smem:$0x3F91];
	s0 =	simm.s32 @p1 $0x1  }
0x15: {  	[smem:$0x3FAE] =	sst s0;
	s0 =	simm.s32 @!p2 $0x0  }
0x16: {  	s3 =	sld [smem:$0x3FDB];
	s0 =	simm.s32 @p2 $0x1  }
0x17: {  	s4 =	simm.s32 $0x1BF5;
	[smem:$0x3FB0] =	sst s0  }
0x18: {  	s0 =	sld [smem:$0x3F93];
	_ =	swait.ge [sflag:s4], $0x0  }
0x19: {  	s7 =	sld [smem:$0x3F94]  }
0x1a: {  	s8 =	sadd.s32 $0xFFFFE003, lr  }
0x1b: {  	s9 =	sadd.s32 $0xFFFFFEF7, lr;
	s5 =	simm.s32 $0xFFFFFFFF;
	p2 =	slt.u32 s8, $0xFFFFF086  }
0x1c: {  	p1 =	slt.u32 s9, $0xF7A;
	s5 =	simm.s32 @!p2 $0x0  }
0x1d: {  	s5 =	simm.s32 @p1 $0x1;
	p0 =	seq.s32 s7, s2  }
0x1e: {  	s7 =	smul.u32 @!p0 $0xF7A, s2;
	p2 =	seq.s32 @!p0 s5, $0x0  }
0x1f: {  	s9 =	smul.u32 $0xF7A, s1;
	s8 =	simm.s32 @!p0 $0x1BF5;
	p2 =	por !p2, p0  }
0x20: {  	[sflag:s8] =	ssyncset.s32 @!p0 $0xFFFFF086;
	s6 =	sadd.s32 @!p0 s3, s7;
	s7 =	simm.s32 @!p0 $0x108  }
0x21: {  	s3 =	sadd.s32 s3, s9;
	s6 =	sadd.s32 @!p0 $0x88, s6;
	s7 =	simm.s32 @p2 $0x1082  }
0x22: {  	[simem:s7], [sflag:s8] =	dma.local @!p0 [hbm:s6], $0xF7A  }
0x23: {  	s9 =	sor.u32 $0xD0000000, s2;
	s6 =	simm.s32 $0x108;
	_ =	swait.ge @!p0 [sflag:s8], $0x0  }
0x24: {  	s3 =	sadd.s32 $0x88, s3;
	s6 =	simm.s32 @!p1 $0x1082;
	[sflag:s4] =	ssyncset.s32 $0xFFFFF086  }
0x25: {  	[simem:s6], [sflag:s4] =	dma.local [hbm:s3], $0xF7A  }
0x26: {  	[smem:$0x3F94] =	sst s1;
	(tag) =	ssettag s2;
	_ =	strace s9  }
0x27: {  	s1 =	sld [smem:$0x3FA4]  }
0x28: {  	s2 =	sld [smem:$0x3FA5]  }
0x29: {  	s4 =	sld [smem:$0x3FA7]  }
0x2a: {  	p0 =	seq.s32 s5, $0x0;
	s5 =	sld [smem:$0x3FA8]  }
0x2b: {  	s6 =	sld [smem:$0x3FA9]  }
0x2c: {  	s7 =	sld [smem:$0x3FAA]  }
0x2d: {  	s3 =	simm.s32 $0x108;
	s8 =	sld [smem:$0x3FAB]  }
0x2e: {  	s3 =	simm.s32 @!p0 $0x1082;
	s9 =	sld [smem:$0x3FAC]  }
0x2f: {  	lr =	sadd.s32 s0, s3;
	s0 =	sld [smem:$0x3FA3]  }
0x30: {  	s3 =	sld [smem:$0x3FA6]  }
0x31: {  	[smem:$0x3FAF] =	sst s10  }
0x32: {  	s10 =	sld [smem:$0x3FAD];
	_ =	sdelay $0x3  }
0x33: {  	p0 =	seq.s32 s10, $0x1;
	s10 =	sld [smem:$0x3FAF];
	_ =	sdelay $0x3  }
0x34: {  	[smem:$0x3FAF] =	sst s10  }
0x35: {  	s10 =	sld [smem:$0x3FAE];
	_ =	sdelay $0x3  }
0x36: {  	p1 =	seq.s32 s10, $0x1;
	s10 =	sld [smem:$0x3FAF];
	_ =	sdelay $0x3  }
0x37: {  	[smem:$0x3FAF] =	sst s10  }
0x38: {  	s10 =	sld [smem:$0x3FB0]  }
0x39: {  	_ = 	snop;
	(pc) =	sbr.ind lr, $3  }
0x3a: {  	_ = 	snop  }
0x3b: {  	_ = 	snop  }
0x3c: {  	p2 =	seq.s32 s10, $0x1;
	s10 =	sld [smem:$0x3FAF]  }
0x3d: {  	_ =	shalt  }
0x3e: {  	_ =	shalt  }
0x3f: {  	_ =	shalt  }
0x40: {  	_ =	shalt  }
0x41: {  	_ =	shalt  }
0x42: {  	_ =	shalt  }
0x43: {  	_ =	shalt  }
0x44: {  	_ =	shalt  }
0x45: {  	_ =	shalt  }
0x46: {  	_ =	shalt  }
0x47: {  	_ =	shalt  }
0x48: {  	_ =	shalt  }
0x49: {  	_ =	shalt  }
0x4a: {  	_ =	shalt  }
0x4b: {  	_ =	shalt  }
0x4c: {  	_ =	shalt  }
0x4d: {  	_ =	shalt  }
0x4e: {  	_ =	shalt  }
0x4f: {  	_ =	shalt  }
0x50: {  	_ =	shalt  }
0x51: {  	_ =	shalt  }
0x52: {  	_ =	shalt  }
0x53: {  	_ =	shalt  }
0x54: {  	_ =	shalt  }
0x55: {  	_ =	shalt  }
0x56: {  	_ =	shalt  }
0x57: {  	_ =	shalt  }
0x58: {  	_ =	shalt  }
0x59: {  	_ =	shalt  }
0x5a: {  	_ =	shalt  }
0x5b: {  	_ =	shalt  }
0x5c: {  	_ =	shalt  }
0x5d: {  	_ =	shalt  }
0x5e: {  	_ =	shalt  }
0x5f: {  	_ =	shalt  }
0x60: {  	_ =	shalt  }
0x61: {  	_ =	shalt  }
0x62: {  	_ =	shalt  }
0x63: {  	_ =	shalt  }
0x64: {  	_ =	shalt  }
0x65: {  	_ =	shalt  }
0x66: {  	_ =	shalt  }
0x67: {  	_ =	shalt  }
0x68: {  	_ =	shalt  }
0x69: {  	_ =	shalt  }
0x6a: {  	_ =	shalt  }
0x6b: {  	_ =	shalt  }
0x6c: {  	_ =	shalt  }
0x6d: {  	_ =	shalt  }
0x6e: {  	_ =	shalt  }
0x6f: {  	_ =	shalt  }
0x70: {  	_ =	shalt  }
0x71: {  	_ =	shalt  }
0x72: {  	_ =	shalt  }
0x73: {  	_ =	shalt  }
0x74: {  	_ =	shalt  }
0x75: {  	_ =	shalt  }
0x76: {  	_ =	shalt  }
0x77: {  	_ =	shalt  }
0x78: {  	_ =	shalt  }
0x79: {  	_ =	shalt  }
0x7a: {  	_ =	shalt  }
0x7b: {  	_ =	shalt  }
0x7c: {  	_ =	shalt  }
0x7d: {  	_ =	shalt  }
0x7e: {  	_ =	shalt  }
0x7f: {  	_ =	shalt  }
0x80: {  	_ =	shalt  }
0x81: {  	_ =	shalt  }
0x82: {  	_ =	shalt  }
0x83: {  	_ =	shalt  }
0x84: {  	_ =	shalt  }
0x85: {  	_ =	shalt  }
0x86: {  	_ =	shalt  }
0x87: {  	_ =	shalt  }
.Lfunc_end0:
.L_simem_size_0:
called_computation_lowered:
.L_overlay_start_0:
0x88: {  	s2 =	sld [smem:$0x3FD9]  }
0x89: {  	s3 =	sld [smem:$0x3FFE];
	_ =	sdelay $0x1  }
0x8a: {  	s1 =	srdreg.scid  }
0x8b: {  	s0 =	sand.u32 $0x1, s1  }
0x8c: {  	s14 =	sshll.u32 s0, $0xA;
	s2 =	sadd.s32 s3, s2  }
0x8d: {  	s2 =	sadd.s32 s2, s14  }
0x8e: {  	[smem:$0x3FBB] =	sst s2  }
0x8f: {  	_ = 	snop  }
0x90: {  	s2 =	sld [smem:$0x3FD0];
	_ =	sdelay $0x2  }
0x91: {  	s15 =	simm.s32 $0xA;
	s4 =	simm.s32 $0x10  }
0x92: {  	[smem:s4], [sflag:s15] =	dma.local [hbm:s2], $0x1  }
0x93: {  	_ =	swait.eq [sflag:s15], $0x1  }
0x94: {  	s16 =	sld [smem:$0x12];
	[sflag:s15] =	ssyncset.done $0x0  }
0x95: {  	s17 =	sld [smem:$0x13];
	[sflag:s15] =	ssyncadd.s32 $0xFFFFFFFF  }
0x96: {  	s18 =	sld [smem:$0x14];
	(tm) =	ssettm $0x1  }
0x97: {  	s5 =	sld [smem:$0x3FFB];
	_ =	sdelay $0x3  }
0x98: {  	_ =	strace s5  }
0x99: {  	s5 =	sld [smem:$0x3FFC];
	_ =	sdelay $0x3  }
0x9a: {  	_ =	strace s5  }
0x9b: {  	s5 =	sld [smem:$0x3FFD];
	_ =	sdelay $0x3  }
0x9c: {  	_ =	strace s5  }
0x9d: {  	_ =	strace $0x8FFFFFFF  }
0x9e: {  	s19 =	sld [smem:$0x3FDB];
	_ =	sdelay $0x1  }
0x9f: {  	s6 =	simm.s32 $_scs_section_size  }
0xa0: {  	s7 =	simm.s32 $_size__tile_overlayer_lowered;
	s8 =	simm.s32 $_tile_overlayer_lowered  }
0xa1: {  	s22 =	simm.s32 $0x1BFF;
	s21 =	sshll.u32 s8, $0x1;
	s5 =	sadd.s32 s6, s19  }
0xa2: {  	s9 =	simm.s32 $0x0;
	s20 =	sshll.u32 s7, $0x1;
	s7 =	sadd.s32 s21, s5  }
0xa3: {  	[timem:s9], [sflag:s22] =	dma.local [hbm:s7], s20  }
0xa4: {  	_ =	swait.ge [sflag:s22], s20  }
0xa5: {  	s6 =	ssub.s32 $0x0, s20;
	[sflag:s22] =	ssyncset.done $0x0  }
0xa6: {  	[sflag:s22] =	ssyncadd.s32 s6;
	_ =	sdelay $0x1  }
0xa7: {  	s23 =	simm.s32 $0x1B8B  }
0xa8: {  	_ =	swait.ge [sflag:s23], $0x1  }
0xa9: {  	[sflag:s23] =	ssyncset.done $0x0  }
0xaa: {  	s25 =	simm.s32 $0x1B8E;
	s24 =	sld [smem:$0x3FFE];
	[sflag:s23] =	ssyncadd.s32 $0xFFFFFFFF  }
0xab: {  	s26 =	simm.s32 $execute0_lowered;
	[smem:$0x3FD2] =	sst s25  }
0xac: {  	s7 =	sshll.u32 s26, $0x1;
	_ =	strace $0x80000046;
	[dreg:$0x1] =	wrdreg $0xFFFFFFFF  }
0xad: {  	s28 =	simm.s32 $_size_execute0_lowered;
	s5 =	sadd.s32 s5, s7;
	[dreg:$0x0] =	wrdreg $0x0  }
0xae: {  	s7 =	sshll.u32 s28, $0x1;
	[dreg:$0x2] =	wrdreg s5  }
0xaf: {  	[dreg:$0x3] =	wrdreg s7  }
0xb0: {  	[dreg:$0x4] =	wrdreg $0xC0  }
0xb1: {  	_ =	task [dreg:s9], $0x5FFFF  }
0xb2: {  	[dreg:$0x1] =	wrdreg $0xFFFFFFFF  }
0xb3: {  	[dreg:$0x0] =	wrdreg $0x60  }
0xb4: {  	[dreg:$0x2] =	wrdreg s18  }
0xb5: {  	[dreg:$0x3] =	wrdreg s24  }
0xb6: {  	[dreg:$0x4] =	wrdreg s17  }
0xb7: {  	[dreg:$0x5] =	wrdreg s16  }
0xb8: {  	[dreg:$0x6] =	wrdreg $0x30000  }
0xb9: {  	[dreg:$0x7] =	wrdreg $0x9  }
0xba: {  	_ =	task.clear_ibuf [dreg:s9], $0x8FFFF;
	_ =	strace $0x90000046  }
0xbb: {  	s29 =	simm.s32 $0x9;
	_ =	strace $0x80000048  }
0xbc: {  	_ =	swait.ge [sflag:s29], $0x1  }
0xbd: {  	[sflag:s29] =	ssyncadd.s32 $0xFFFFFFFF  }
0xbe: {  	_ =	strace $0x90000048  }
0xbf: {  	_ =	sfence  }
0xc0: {  	s30 =	sld [smem:$0x0];
	_ =	sdelay $0x2  }
0xc1: {  	s31 =	sshll.u32 s1, $0xD;
	s1 =	sshrl.u32 s1, $0x2  }
0xc2: {  	s3 =	sand.u32 $0x4000, s31;
	s1 =	sadd.s32 s1, s30  }
0xc3: {  	s0 =	sor.u32 s3, s0;
	s1 =	sshll.u32 s1, $0x11  }
0xc4: {  	s0 =	sor.u32 s1, s0  }
0xc5: {  	s0 =	sadd.s32 $0x8F2B, s0  }
0xc6: {  	[sflag:s0] =	ssyncadd.remote.s32 $0x1  }
0xc7: {  	_ =	sfence.sel $0xFFFF  }
0xc8: {  	[dreg:$0x0] =	wrdreg $0xFFFFFFFF;
	(pc) =	sbr.abs _section_cstart, $3  }
0xc9: {  	[dreg:$0x1] =	wrdreg $0xFFFFFFFF  }
0xca: {  	_ =	task.clear_ibuf [dreg:s9], $0x2FFFF;
	_ =	strace $0x9FFFFFFF  }
0xcb: {  	(tm) =	ssettm $0x7FFFFFFF  }
tec
execute0_lowered:
.L_overlay_start_1:
0x0: {  	(tag) =	ssettag $0x1  }
0x1: {  	s0 =	rddreg [dreg:$0x0]  }
0x2: {  	s6 =	rddreg [dreg:$0x1]  }
0x3: {  	s2 =	rddreg [dreg:$0x2]  }
0x4: {  	s8 =	rddreg [dreg:$0x3]  }
0x5: {  	s1 =	srdreg.scid;
	s4 =	rddreg [dreg:$0x4]  }
0x6: {  	s16 =	simm.s32 $0x80;
	s17 =	simm.s32 $0x0;
	s7 =	sand.u32 $0x1, s1  }
0x7: {  	s1 =	stileid.u32;
	s14 =	sadd.s32 $0x27000, s4;
	s15 =	sadd.s32 $0x27100, s4  }
0x8: {  	s3 =	sshll.u32 s7, $0x4;
	s10 =	ssub.s32 $0x2, s7;
	s11 =	smul.u32 $0x2700, s1  }
0x9: {  	s7 =	smul.u32 $0x27100, s7;
	p0 =	sne.s32 s1, $0xF;
	s31 =	sshll.u32 s1, $0x6  }
0xa: {  	s5 =	sor.u32 s1, s3;
	s3 =	rddreg [dreg:$0x5];
	s12 =	sshrl.u32 s10, $0x1  }
0xb: {  	s14 =	sshrl.u32 @!p0 s14, $0x3;
	s15 =	sshrl.u32 @!p0 s15, $0x3;
	s9 =	smul.u32 $0x500, s5  }
0xc: {  	s5 =	simm.s32 $0x0;
	s28 =	ssub.s32 s10, s12;
	s13 =	sadd.s32 s11, s4  }
0xd: {  	s29 =	sadd.s32 s11, s7;
	s30 =	sshrl.u32 s7, $0x3;
	s11 =	simm.s32 $0x2800  }
0xe: {  	s12 =	sor.u32 $0x1C01, s31;
	[smem:$0x7FF] =	sst s5;
	s10 =	sshrl.u32 s29, $0x3  }
0xf: {  	s13 =	sshrl.u32 s13, $0x3;
	_ =	strace $0x80000047;
	s6 =	sadd.s32 s9, s6  }
0x10: {  	s7 =	sadd.s32 s8, s10;
	s8 =	sadd.s32 s8, s30;
	s9 =	smax.u32 s28, $0x1  }
0x11: {  	s10 =	simm.s32 $0x1;
	s6 =	sadd.s32 $0x2600, s6;
	s8 =	sadd.s32 $0x4E00, s8  }
.LBB2_1:
0x12: {  	[tilespmem:s5], [sflag:$0x1] =	stream.linear.gather [hbm4b:s6+s5], $0x2800, $0x38;
	[tilespmem:$0x5718] =	vst v63  }
0x13: {  	_ =	swait.ge [sflag:s10], $0x2800  }
0x14: {  	[sflag:s10] =	ssyncset.done $0x0  }
0x15: {  	[sflag:s10] =	ssyncadd.s32 $0xFFFFD800  }
0x16: {  	[tilespmem:s11], [sflag:$0x1] =	stream.linear.gather [hbm4b:s0+s5], $0x800, $0x38;
	[tilespmem:$0x5718] =	vst v63  }
0x17: {  	_ =	swait.ge [sflag:s10], $0x800  }
0x18: {  	[sflag:s10] =	ssyncset.done $0x0  }
0x19: {  	[sflag:s10] =	ssyncadd.s32 $0xFFFFF800  }
0x1a: {  	[spmem:s13], [sflag:s12] =	dma.local [hbm:s2], $0x4E0  }
0x1b: {  	_ =	swait.ge [sflag:s10], $0x4E0  }
0x1c: {  	[sflag:s10] =	ssyncset.done $0x0  }
0x1d: {  	s18 =	simm.s32 @!p0 $0x1;
	[sflag:s10] =	ssyncadd.s32 $0xFFFFFB20  }
0x1e: {  	[spmem:s14], [sflag:s12] =	dma.local @!p0 [hbm:s2], $0x20  }
0x1f: {  	_ =	swait.ge @!p0 [sflag:s18], $0x20  }
0x20: {  	[sflag:s18] =	ssyncset.done @!p0 $0x0  }
0x21: {  	[sflag:s18] =	ssyncadd.s32 @!p0 $0xFFFFFFE0  }
0x22: {  	[spmem:s15], [sflag:s12] =	dma.local @!p0 [hbm:s2], $0x10  }
0x23: {  	_ =	swait.ge @!p0 [sflag:s18], $0x10  }
0x24: {  	[sflag:s18] =	ssyncset.done @!p0 $0x0  }
0x25: {  	[sflag:s18] =	ssyncadd.s32 @!p0 $0xFFFFFFF0  }
0x26: {  	s31 =	simm.s32 $0x0;
	[bflag:$0x0] =	sbarrier.arrive $0xFFFF  }
0x27: {  	[spmem:s4] =	stream.indirect.scatter.add.f32 [tilespmem:s11], [sflag:$0x1], $0x10, s31, s16, $0xb8;
	[tilespmem:$0x5718] =	vst v63  }
0x28: {  	_ =	swait.ge [sflag:s10], $0x800  }
0x29: {  	s18 =	simm.s32 $0x200;
	[sflag:s10] =	ssyncset.done $0x0  }
.LBB2_2:
0x2a: {  	s19 =	sshra.s32 s18, $0x2;
	[sflag:s10] =	ssyncadd.s32 $0xFFFFF800;
	p1 =	sne.s32 s18, $0x9E00  }
0x2b: {  	[spmem:s4] =	stream.indirect.scatter.add.f32 [tilespmem:s11], [sflag:$0x1], $0x10, s19, s16, $0xb8;
	[tilespmem:$0x5718] =	vst v63  }
.Ltmp0:
0x2c: {  	_ = 	snop;
	(pc) =	sbr.rel @p1 .LBB2_2-.Ltmp0, $4  }
0x2d: {  	_ = 	snop  }
0x2e: {  	s18 =	sadd.s32 $0x200, s18  }
0x2f: {  	_ =	swait.ge [sflag:s10], $0x800  }
0x30: {  	[sflag:s10] =	ssyncset.done $0x0  }
0x31: {  	[sflag:s10] =	ssyncadd.s32 $0xFFFFF800  }
0x32: {  	[bflag:$0x0] =	sbarrier.arrive $0xFFFF  }
0x33: {  	[hbm:s7], [sflag:s12] =	dma.local [spmem:s13], $0x4E0  }
0x34: {  	s17 =	sadd.s32 $0x1, s17;
	_ =	swait.ge [sflag:s10], $0x4E0  }
0x35: {  	p1 =	sne.s32 s17, s9;
	[sflag:s10] =	ssyncset.done $0x0  }
.Ltmp1:
0x36: {  	s18 =	simm.s32 @!p0 $0x1;
	[sflag:s10] =	ssyncadd.s32 $0xFFFFFB20;
	(pc) =	sbr.rel @p1 .LBB2_1-.Ltmp1, $4  }
0x37: {  	[hbm:s8], [sflag:s12] =	dma.local @!p0 [spmem:s14], $0x20  }
0x38: {  	_ =	swait.ge @!p0 [sflag:s18], $0x20  }
0x39: {  	[sflag:s18] =	ssyncset.done @!p0 $0x0  }
0x3a: {  	[sflag:s18] =	ssyncadd.s32 @!p0 $0xFFFFFFE0  }
0x3b: {  	_ =	sfence.sel $0x180000  }
0x3c: {  	[bflag:$0x0] =	sbarrier.arrive $0xFFFF  }
0x3d: {  	p0 =	sne.s32 s1, $0x0;
	_ =	strace $0x90000047  }
0x3e: {  	s0 =	sadd.s32 @!p0 $0x100000, s3;
	[bflag:$0x2] =	sbarrier.arrive $0xFFFF  }
0x3f: {  	[sflag:s0] =	ssyncadd.tile.s32 @!p0 $0x1;
	_ =	shalt  }
.Lfunc_end2:
_tile_overlayer_lowered:
.L_overlay_start_2:
0x40: {  	(tag) =	ssettag $0x2  }
0x41: {  	s0 =	rddreg [dreg:$0x0];
	s2 =	stileid.u32  }
0x42: {  	s1 =	rddreg [dreg:$0x1];
	p0 =	sne.s32 s2, $0x0  }
0x43: {  	s3 =	rddreg [dreg:$0x2];
	[bflag:$0x3] =	sbarrier.arrive $0xFFFF;
	s2 =	simm.s32 @!p0 $0x1C01  }
0x44: {  	[timem:s3], [sflag:s2] =	dma.local @!p0 [hbm:s0], s1  }
0x45: {  	s0 =	simm.s32 @!p0 $0x1  }
0x46: {  	_ =	swait.ge @!p0 [sflag:s0], s1  }
0x47: {  	s1 =	ssub.s32 @!p0 $0x0, s1;
	[sflag:s0] =	ssyncset.done @!p0 $0x0  }
0x48: {  	[sflag:s0] =	ssyncadd.s32 @!p0 s1  }
0x49: {  	[bflag:$0x3] =	sbarrier.arrive $0xFFFF  }
0x4a: {  	_ =	shalt  }

</sc_bundles>
